<compile_context>
chip_gen: v7x
topology: tpu7x:2x2x1
jax: 0.10.2.dev20260603
libtpu: 0.0.44.dev20260713+nightly
codegen_flags: <defaults>
</compile_context>

<pallas_src>
import functools

import jax
import jax.numpy as jnp
from jax import lax
from jax.experimental import pallas as pl
from jax.experimental.pallas import tpu as pltpu
from jax.experimental.pallas import tpu_sc as plsc

N = 50000
D = 64
STEP = 0.1
NP = 50176
SLICE = NP // 16
DUMP = N
E = 800000
HALF = E // 2
EPAD = 819200
CA = 1600
CB = 800
Q = SLICE // 4

_mesh = plsc.VectorSubcoreMesh(core_axis_name="c", subcore_axis_name="s")
_f32 = jnp.float32
_sc_params = pltpu.CompilerParams(
    needs_layout_passes=False, use_tc_tiling_on_sc=False)


def _dense_body(x_ref, wlt_ref, bl_ref, ws_ref, y2_ref, ab_ref):
    x = x_ref[...]
    y = jnp.dot(x, wlt_ref[...], preferred_element_type=_f32) + bl_ref[...]
    yb = y.astype(jnp.bfloat16)
    y2_ref[0] = yb[:, :32]
    y2_ref[1] = yb[:, 32:]
    a = lax.dot_general(x, ws_ref[0], (((1,), (0,)), ((), ())),
                        preferred_element_type=_f32)
    b = lax.dot_general(x, ws_ref[1], (((1,), (0,)), ((), ())),
                        preferred_element_type=_f32)
    ab_ref[0] = a.reshape(8, 128)
    ab_ref[1] = b.reshape(8, 128)


def _phase1(x_p, wlt, bl2, ws2):
    return pl.pallas_call(
        _dense_body,
        grid=(NP // 1024,),
        in_specs=[
            pl.BlockSpec((1024, D), lambda i: (i, 0)),
            pl.BlockSpec((D, D), lambda i: (0, 0)),
            pl.BlockSpec((1, D), lambda i: (0, 0)),
            pl.BlockSpec((2, D), lambda i: (0, 0)),
        ],
        out_specs=[
            pl.BlockSpec((2, 1024, 32), lambda i: (0, i, 0)),
            pl.BlockSpec((2, 8, 128), lambda i: (0, i, 0)),
        ],
        out_shape=[
            jax.ShapeDtypeStruct((2, NP, 32), jnp.bfloat16),
            jax.ShapeDtypeStruct((2, 392, 128), _f32),
        ],
    )(x_p, wlt, bl2, ws2)


@functools.partial(
    pl.kernel,
    out_type=[jax.ShapeDtypeStruct((EPAD,), _f32),
              jax.ShapeDtypeStruct((NP,), _f32),
              jax.ShapeDtypeStruct((NP,), _f32)],
    mesh=_mesh,
    compiler_params=_sc_params,
    scratch_types=[
        pltpu.VMEM((NP,), _f32),
        pltpu.VMEM((NP,), _f32),
        pltpu.VMEM((CA,), jnp.int32),
        pltpu.VMEM((CA,), jnp.int32),
        pltpu.VMEM((CA,), _f32),
        pltpu.VMEM((CA,), _f32),
        pltpu.VMEM((SLICE,), _f32),
        pltpu.VMEM_SHARED((NP,), _f32),
    ],
)
def _sc_maps(row_h, col_h, a_h, b_h, maps_h, p0_h, p1_h,
             a_v, b_v, row_v, col_v, m_v, m2_v, z_v, acc_s):
    c = lax.axis_index("c")
    s = lax.axis_index("s")
    wid = c * 16 + s

    def zset(i, _):
        z_v[pl.ds(i * 16, 16)] = jnp.zeros((16,), _f32)
        return 0
    lax.fori_loop(0, SLICE // 16, zset, 0)
    pltpu.sync_copy(z_v, acc_s.at[pl.ds(s * SLICE, SLICE)])
    pltpu.sync_copy(a_h, a_v)
    pltpu.sync_copy(b_h, b_v)
    plsc.subcore_barrier()

    def chunk(j, _):
        base = (wid * 16 + j) * CA
        pltpu.sync_copy(row_h.at[pl.ds(base, CA)], row_v)
        pltpu.sync_copy(col_h.at[pl.ds(base, CA)], col_v)

        def grp(g, _):
            ri = row_v[pl.ds(g * 16, 16)]
            ci = col_v[pl.ds(g * 16, 16)]
            av = plsc.load_gather(a_v, [ri])
            bv = plsc.load_gather(b_v, [ci])
            z2 = (av + bv) * 2.0
            m = 1.0 - 2.0 / (jnp.exp(z2) + 1.0)
            m_v[pl.ds(g * 16, 16)] = m
            m2_v[pl.ds(g * 16, 16)] = m * m
            return 0
        lax.fori_loop(0, CA // 16, grp, 0)
        pltpu.sync_copy(m_v, maps_h.at[pl.ds(base, CA)])
        pltpu.sync_copy(m2_v, acc_s.at[row_v], add=True)
        return 0
    lax.fori_loop(0, 16, chunk, 0)
    plsc.subcore_barrier()

    @pl.when(c == 0)
    def _():
        pltpu.sync_copy(acc_s.at[pl.ds(s * SLICE, SLICE)],
                        p0_h.at[pl.ds(s * SLICE, SLICE)])

    @pl.when(c == 1)
    def _():
        pltpu.sync_copy(acc_s.at[pl.ds(s * SLICE, SLICE)],
                        p1_h.at[pl.ds(s * SLICE, SLICE)])


def _a2_body(p0_ref, p1_ref, y_ref, d_ref, dy_ref):
    sm = p0_ref[...] + p1_ref[...]
    d = lax.rsqrt(sm + 1.0)
    d_ref[...] = d
    dg = sm * d * d
    dy_ref[0] = (dg * y_ref[0].astype(_f32)).astype(jnp.bfloat16)
    dy_ref[1] = (dg * y_ref[1].astype(_f32)).astype(jnp.bfloat16)


def _a2(p0, p1, y2):
    return pl.pallas_call(
        _a2_body,
        grid=(49,),
        in_specs=[pl.BlockSpec((1024, 1), lambda i: (i, 0)),
                  pl.BlockSpec((1024, 1), lambda i: (i, 0)),
                  pl.BlockSpec((2, 1024, 32), lambda i: (0, i, 0))],
        out_specs=[pl.BlockSpec((1024, 1), lambda i: (i, 0)),
                   pl.BlockSpec((2, 1024, 32), lambda i: (0, i, 0))],
        out_shape=[jax.ShapeDtypeStruct((NP, 1), _f32),
                   jax.ShapeDtypeStruct((2, NP, 32), jnp.bfloat16)],
    )(p0, p1, y2)


NCH = 64
_bf16 = jnp.bfloat16


@functools.partial(
    pl.kernel,
    out_type=jax.ShapeDtypeStruct((2, NP, 32), jnp.bfloat16),
    mesh=_mesh,
    compiler_params=_sc_params,
    scratch_types=[
        pltpu.VMEM((NP // 2,), jnp.int32),
        pltpu.VMEM((2, 2, CB), jnp.int32),
        pltpu.VMEM((CB,), _f32),
        pltpu.VMEM((CB,), _f32),
        pltpu.VMEM((CB,), _f32),
        pltpu.VMEM((2, CB, 32), jnp.bfloat16),
        pltpu.VMEM_SHARED((NP, 32), jnp.bfloat16),
        pltpu.SemaphoreType.DMA,
    ],
)
def _sc_spmm(row_h, col_h, maps_h, dpk_h, y2_h, acc2_h,
             dp_v, rc_v, m_v, rm_v, w_v, rows_v, acc_s, sem):
    c = lax.axis_index("c")
    s = lax.axis_index("s")

    zb = jnp.zeros((32,), jnp.bfloat16)

    def zrow(i, _):
        rows_v[0, i, pl.ds(0, 32)] = zb
        return 0
    lax.fori_loop(0, Q, zrow, 0)
    for q in range(4):
        pltpu.sync_copy(rows_v.at[0].at[pl.ds(0, Q)],
                        acc_s.at[pl.ds(s * SLICE + q * Q, Q)])
    pltpu.sync_copy(dpk_h, dp_v)
    plsc.subcore_barrier()

    tbase = s * NCH

    def issue(k, sl):
        base = (tbase + k) * CB
        pltpu.sync_copy(row_h.at[pl.ds(base, CB)], rc_v.at[sl, 0])
        pltpu.sync_copy(col_h.at[pl.ds(base, CB)], rc_v.at[sl, 1])
        pltpu.async_copy(y2_h.at[c].at[rc_v.at[sl, 1]], rows_v.at[sl], sem)

    def drain(sl):
        pltpu.make_async_copy(y2_h.at[c].at[pl.ds(0, CB)], rows_v.at[sl],
                              sem).wait()

    issue(0, 0)

    def phase(k, _):
        sl = k & 1

        @pl.when(k + 1 < NCH)
        def _():
            issue(k + 1, 1 - sl)

        base = (tbase + k) * CB
        rmb = jnp.where(base < HALF, base + HALF, base - HALF)
        pltpu.sync_copy(maps_h.at[pl.ds(base, CB)], m_v)
        pltpu.sync_copy(maps_h.at[pl.ds(rmb, CB)], rm_v)

        def unpack_d(idx):
            v = plsc.load_gather(dp_v, [jnp.right_shift(idx, 1)])
            half = jnp.where((idx & 1) == 1,
                             lax.shift_right_logical(v, 16), v & 0xFFFF)
            return plsc.bitcast(half << 16, _f32)

        def grp(g, _):
            gb = g * 16
            m = m_v[pl.ds(gb, 16)]
            rm = rm_v[pl.ds(gb, 16)]
            ri = rc_v[sl, 0, pl.ds(gb, 16)]
            ci = rc_v[sl, 1, pl.ds(gb, 16)]
            dr = unpack_d(ri)
            dc = unpack_d(ci)
            w_v[pl.ds(gb, 16)] = -(m * rm) * dr * dc
            return 0
        lax.fori_loop(0, CB // 16, grp, 0)
        drain(sl)

        def scale(i, _):
            for u in range(4):
                r = i * 4 + u
                wi = plsc.load_gather(w_v, [jnp.full((16,), r, jnp.int32)])
                wpk = plsc.pack(wi, wi, format=plsc.PackFormat.INTERLEAVED)
                rows_v[sl, r, pl.ds(0, 32)] = (
                    rows_v[sl, r, pl.ds(0, 32)] * wpk)
            return 0
        lax.fori_loop(0, CB // 4, scale, 0)
        pltpu.sync_copy(rows_v.at[sl], acc_s.at[rc_v.at[sl, 0]], add=True)
        return 0
    lax.fori_loop(0, NCH, phase, 0)

    plsc.subcore_barrier()
    pltpu.sync_copy(acc_s.at[pl.ds(s * SLICE, SLICE)],
                    acc2_h.at[c, pl.ds(s * SLICE, SLICE)])


def _comb_body(x_ref, acc_ref, dy_ref, o_ref):
    acc = jnp.concatenate([acc_ref[0], acc_ref[1]], axis=-1).astype(_f32)
    dy = jnp.concatenate([dy_ref[0], dy_ref[1]], axis=-1).astype(_f32)
    o_ref[...] = x_ref[...] - STEP * (acc + dy)


def _combine(x, acc2, dy2):
    return pl.pallas_call(
        _comb_body,
        grid=(25,),
        in_specs=[
            pl.BlockSpec((2000, D), lambda i: (i, 0)),
            pl.BlockSpec((2, 2000, 32), lambda i: (0, i, 0)),
            pl.BlockSpec((2, 2000, 32), lambda i: (0, i, 0)),
        ],
        out_specs=pl.BlockSpec((2000, D), lambda i: (i, 0)),
        out_shape=jax.ShapeDtypeStruct((N, D), _f32),
    )(x, acc2, dy2)


def kernel(x, edge_index, W_sheaf, W_lin, b_lin):
    row = edge_index[0].astype(jnp.int32)
    col = edge_index[1].astype(jnp.int32)
    pad_i = jnp.full((EPAD - E,), DUMP, jnp.int32)
    row_p = jnp.concatenate([row, pad_i])
    col_p = jnp.concatenate([col, pad_i])
    x_p = jnp.zeros((NP, D), _f32).at[:N].set(x)
    wlt = W_lin.T
    bl2 = b_lin.reshape(1, D)
    ws2 = W_sheaf[:, 0].reshape(2, D)

    y2, ab5 = _phase1(x_p, wlt, bl2, ws2)
    maps, p0, p1 = _sc_maps(row_p, col_p, ab5[0].reshape(NP), ab5[1].reshape(NP))
    d4, dy2 = _a2(p0.reshape(NP, 1), p1.reshape(NP, 1), y2)
    dbf = d4.reshape(NP).astype(jnp.bfloat16)
    dpk = jax.lax.bitcast_convert_type(dbf.reshape(NP // 2, 2), jnp.int32)
    acc2 = _sc_spmm(row_p, col_p, maps, dpk, y2)
    return _combine(x, acc2, dy2)

# --- scband reference (transcript-rebuilt; emitter-appended) ---
"""Pipeline reference for scband-sheaf-conv-layer-41592463295034 (READ-ONLY COPY).

The authoritative reference and input builder live on the scoring server;
editing this copy changes nothing except your own understanding.
"""

import jax, jax.numpy as jnp
import numpy as np

N = 50000
E = 800000
D = 64
STEP = 0.1


def setup_inputs(seed: int = 0) -> dict:
    key = jax.random.key(seed)
    k1, k2, k3, k4, k5 = jax.random.split(key, 5)
    x = jax.random.normal(k1, (N, D), dtype=jnp.float32)
    # Build a symmetric edge set so every edge (s,t) has a reverse (t,s),
    # as required by compute_left_right_map_index in the original module.
    half = E // 2
    src = jax.random.randint(k2, (half,), 0, N)
    dst = jax.random.randint(k3, (half,), 0, N)
    edge_index = jnp.stack([jnp.concatenate([src, dst]), jnp.concatenate([dst, src])]).astype(jnp.int64)
    # learned parameters
    W_sheaf = jax.random.normal(k4, (2 * D, 1), dtype=jnp.float32) / np.sqrt(2 * D)  # sheaf_learner: Linear(128,1,bias=False)
    W_lin = jax.random.normal(k5, (D, D), dtype=jnp.float32) / np.sqrt(D)            # linear: Linear(64,64)
    b_lin = jnp.zeros((D,), dtype=jnp.float32)
    return {"x": x, "edge_index": edge_index, "W_sheaf": W_sheaf, "W_lin": W_lin, "b_lin": b_lin}


def reference(x, edge_index, W_sheaf, W_lin, b_lin):
    row, col = edge_index[0], edge_index[1]
    half = row.shape[0] // 2
    # left_idx = arange(E); right_idx maps each edge to its reverse edge
    right_idx = jnp.concatenate([jnp.arange(half) + half, jnp.arange(half)])

    # predict_restriction_maps
    x_row = jnp.take(x, row, axis=0)
    x_col = jnp.take(x, col, axis=0)
    maps = jnp.tanh(jnp.concatenate([x_row, x_col], axis=1) @ W_sheaf)  # [E,1]

    # build_laplacian
    left_maps = maps  # index_select with arange(E) is identity
    right_maps = jnp.take(maps, right_idx, axis=0)
    non_diag_maps = -left_maps * right_maps
    diag_maps = jax.ops.segment_sum(maps ** 2, row, num_segments=N)  # scatter_add over source nodes [N,1]
    d_sqrt_inv = (diag_maps + 1.0) ** -0.5
    left_norm = jnp.take(d_sqrt_inv, row, axis=0)
    right_norm = jnp.take(d_sqrt_inv, col, axis=0)
    norm_maps = left_norm * non_diag_maps * right_norm  # off-diagonal Laplacian values [E,1]
    diag = d_sqrt_inv * diag_maps * d_sqrt_inv          # diagonal Laplacian values [N,1]

    # y = linear(x); sparse.mm(laplacian, y) = diag*y + scatter_add_e(norm_maps[e]*y[col[e]] -> row[e])
    y = x @ W_lin.T + b_lin
    Ly = diag * y + jax.ops.segment_sum(norm_maps * jnp.take(y, col, axis=0), row, num_segments=N)
    return x - STEP * Ly

if __name__ == "__main__":
    import jax
    _d = setup_inputs()
    print(jax.jit(kernel)(*tuple(_d.values())))

</pallas_src>

<mosaic_0001>
#map = affine_map<(d0, d1) -> (0)>
module attributes {stable_mosaic.version = 14 : i64} {
  func.func @_sc_maps(%arg0: i32, %arg1: i32, %arg2: memref<819200xi32, #tpu.memory_space<hbm>>, %arg3: memref<819200xi32, #tpu.memory_space<hbm>>, %arg4: memref<50176xf32, #tpu.memory_space<hbm>>, %arg5: memref<50176xf32, #tpu.memory_space<hbm>>, %arg6: memref<819200xf32, #tpu.memory_space<hbm>>, %arg7: memref<50176xf32, #tpu.memory_space<hbm>>, %arg8: memref<50176xf32, #tpu.memory_space<hbm>>, %arg9: memref<50176xf32, #tpu.memory_space<vmem>>, %arg10: memref<50176xf32, #tpu.memory_space<vmem>>, %arg11: memref<1600xi32, #tpu.memory_space<vmem>>, %arg12: memref<1600xi32, #tpu.memory_space<vmem>>, %arg13: memref<1600xf32, #tpu.memory_space<vmem>>, %arg14: memref<1600xf32, #tpu.memory_space<vmem>>, %arg15: memref<3136xf32, #tpu.memory_space<vmem>>, %arg16: memref<50176xf32, #tpu.memory_space<vmem_shared>>) attributes {dimension_semantics = [#tpu.dimension_semantics<core_parallel>, #tpu.dimension_semantics<subcore_parallel>], iteration_bounds = array<i64: 2, 16>, scalar_prefetch = 0 : i64, scratch_operands = 8 : i64, tpu.core_type = #tpu.core_type<sc_vector_subcore>, window_params = [{transform_indices = #map}, {transform_indices = #map}, {transform_indices = #map}, {transform_indices = #map}, {transform_indices = #map}, {transform_indices = #map}, {transform_indices = #map}]} {
    %mul3A = arith.constant 16 : i32
    %mul3A_0 = arith.muli %arg0, %mul3A : i32
    %add3A = arith.addi %mul3A_0, %arg1 : i32
    %scan3A = arith.constant 0 : i32
    %scan3A_1 = arith.constant 0 : i32
    %scan3A_2 = arith.constant 196 : i32
    %scan3A_3 = arith.addi %scan3A_1, %scan3A_2 : i32
    %scan3A_4 = arith.constant 1 : i32
    %scan3A_5 = scf.for %scan3A_24 = %scan3A_1 to %scan3A_3 step %scan3A_4 iter_args(%scan3A_25 = %scan3A) -> (i32)  : i32 {
      %broadcast_in_dim3A = arith.constant 0.000000e+00 : f32
      %broadcast_in_dim3A_26 = vector.broadcast %broadcast_in_dim3A : f32 to vector<16xf32>
      %mul3A_27 = arith.constant 16 : i32
      %mul3A_28 = arith.muli %scan3A_24, %mul3A_27 : i32
      %swap3A = arith.index_cast %mul3A_28 : i32 to index
      %swap3A_29 = tpu.vector_load %arg15[%swap3A] {strides = array<i32>} : memref<3136xf32, #tpu.memory_space<vmem>>, vector<16xf32>,
      tpu.vector_store %arg15[%swap3A], %broadcast_in_dim3A_26 {strides = array<i32>} : memref<3136xf32, #tpu.memory_space<vmem>>, vector<16xf32>,
      %scan3A_30 = arith.constant 0 : i32
      scf.yield %scan3A_30 : i32
    }
    %scan3A_6 = arith.constant 196 : i32
    %mul3A_7 = arith.constant 3136 : i32
    %mul3A_8 = arith.muli %arg1, %mul3A_7 : i32
    "tpu.region"() ({
      %run_scoped3A = tpu.sem_alloc : memref<!tpu.dma_semaphore, #tpu.memory_space<semaphore_mem>>
      %dma_start3A = tpu.memref_slice %arg16[%mul3A_8] : memref<50176xf32, #tpu.memory_space<vmem_shared>> -> memref<3136xf32, #tpu.memory_space<vmem_shared>>
      %dma_start3A_24 = tpu.memref_slice %arg16[%mul3A_8] : memref<50176xf32, #tpu.memory_space<vmem_shared>> -> memref<3136xf32, #tpu.memory_space<vmem_shared>>
      tpu.enqueue_dma source(%arg15 : memref<3136xf32, #tpu.memory_space<vmem>>) target(%dma_start3A_24 : memref<3136xf32, #tpu.memory_space<vmem_shared>>) target_semaphore(%run_scoped3A : memref<!tpu.dma_semaphore, #tpu.memory_space<semaphore_mem>>)
      %dma_wait3A = tpu.memref_slice %arg16[%mul3A_8] : memref<50176xf32, #tpu.memory_space<vmem_shared>> -> memref<3136xf32, #tpu.memory_space<vmem_shared>>
      %dma_wait3A_25 = tpu.memref_slice %arg16[%mul3A_8] : memref<50176xf32, #tpu.memory_space<vmem_shared>> -> memref<3136xf32, #tpu.memory_space<vmem_shared>>
      tpu.wait_dma2 semaphore(%run_scoped3A : memref<!tpu.dma_semaphore, #tpu.memory_space<semaphore_mem>>) src(%arg15 : memref<3136xf32, #tpu.memory_space<vmem>>) dst(%dma_wait3A_25 : memref<3136xf32, #tpu.memory_space<vmem_shared>>)
      tpu.yield
    }) : () -> ()
    "tpu.region"() ({
      %run_scoped3A = tpu.sem_alloc : memref<!tpu.dma_semaphore, #tpu.memory_space<semaphore_mem>>
      tpu.enqueue_dma source(%arg4 : memref<50176xf32, #tpu.memory_space<hbm>>) target(%arg9 : memref<50176xf32, #tpu.memory_space<vmem>>) target_semaphore(%run_scoped3A : memref<!tpu.dma_semaphore, #tpu.memory_space<semaphore_mem>>)
      tpu.wait_dma2 semaphore(%run_scoped3A : memref<!tpu.dma_semaphore, #tpu.memory_space<semaphore_mem>>) src(%arg4 : memref<50176xf32, #tpu.memory_space<hbm>>) dst(%arg9 : memref<50176xf32, #tpu.memory_space<vmem>>)
      tpu.yield
    }) : () -> ()
    "tpu.region"() ({
      %run_scoped3A = tpu.sem_alloc : memref<!tpu.dma_semaphore, #tpu.memory_space<semaphore_mem>>
      tpu.enqueue_dma source(%arg5 : memref<50176xf32, #tpu.memory_space<hbm>>) target(%arg10 : memref<50176xf32, #tpu.memory_space<vmem>>) target_semaphore(%run_scoped3A : memref<!tpu.dma_semaphore, #tpu.memory_space<semaphore_mem>>)
      tpu.wait_dma2 semaphore(%run_scoped3A : memref<!tpu.dma_semaphore, #tpu.memory_space<semaphore_mem>>) src(%arg5 : memref<50176xf32, #tpu.memory_space<hbm>>) dst(%arg10 : memref<50176xf32, #tpu.memory_space<vmem>>)
      tpu.yield
    }) : () -> ()
    %barrier3A = arith.constant 0 : index
    tpu.barrier barrier_id(%barrier3A)
    %scan3A_9 = arith.constant 0 : i32
    %scan3A_10 = arith.constant 0 : i32
    %scan3A_11 = arith.constant 16 : i32
    %scan3A_12 = arith.addi %scan3A_10, %scan3A_11 : i32
    %scan3A_13 = arith.constant 1 : i32
    %scan3A_14 = scf.for %scan3A_24 = %scan3A_10 to %scan3A_12 step %scan3A_13 iter_args(%scan3A_25 = %scan3A_9) -> (i32)  : i32 {
      %mul3A_26 = arith.constant 16 : i32
      %mul3A_27 = arith.muli %add3A, %mul3A_26 : i32
      %add3A_28 = arith.addi %mul3A_27, %scan3A_24 : i32
      %mul3A_29 = arith.constant 1600 : i32
      %mul3A_30 = arith.muli %add3A_28, %mul3A_29 : i32
      "tpu.region"() ({
        %run_scoped3A = tpu.sem_alloc : memref<!tpu.dma_semaphore, #tpu.memory_space<semaphore_mem>>
        %dma_start3A = tpu.memref_slice %arg2[%mul3A_30] : memref<819200xi32, #tpu.memory_space<hbm>> -> memref<1600xi32, #tpu.memory_space<hbm>>
        %dma_start3A_39 = tpu.memref_slice %arg2[%mul3A_30] : memref<819200xi32, #tpu.memory_space<hbm>> -> memref<1600xi32, #tpu.memory_space<hbm>>
        tpu.enqueue_dma source(%dma_start3A_39 : memref<1600xi32, #tpu.memory_space<hbm>>) target(%arg11 : memref<1600xi32, #tpu.memory_space<vmem>>) target_semaphore(%run_scoped3A : memref<!tpu.dma_semaphore, #tpu.memory_space<semaphore_mem>>)
        %dma_wait3A = tpu.memref_slice %arg2[%mul3A_30] : memref<819200xi32, #tpu.memory_space<hbm>> -> memref<1600xi32, #tpu.memory_space<hbm>>
        %dma_wait3A_40 = tpu.memref_slice %arg2[%mul3A_30] : memref<819200xi32, #tpu.memory_space<hbm>> -> memref<1600xi32, #tpu.memory_space<hbm>>
        tpu.wait_dma2 semaphore(%run_scoped3A : memref<!tpu.dma_semaphore, #tpu.memory_space<semaphore_mem>>) src(%dma_wait3A_40 : memref<1600xi32, #tpu.memory_space<hbm>>) dst(%arg11 : memref<1600xi32, #tpu.memory_space<vmem>>)
        tpu.yield
      }) : () -> ()
      "tpu.region"() ({
        %run_scoped3A = tpu.sem_alloc : memref<!tpu.dma_semaphore, #tpu.memory_space<semaphore_mem>>
        %dma_start3A = tpu.memref_slice %arg3[%mul3A_30] : memref<819200xi32, #tpu.memory_space<hbm>> -> memref<1600xi32, #tpu.memory_space<hbm>>
        %dma_start3A_39 = tpu.memref_slice %arg3[%mul3A_30] : memref<819200xi32, #tpu.memory_space<hbm>> -> memref<1600xi32, #tpu.memory_space<hbm>>
        tpu.enqueue_dma source(%dma_start3A_39 : memref<1600xi32, #tpu.memory_space<hbm>>) target(%arg12 : memref<1600xi32, #tpu.memory_space<vmem>>) target_semaphore(%run_scoped3A : memref<!tpu.dma_semaphore, #tpu.memory_space<semaphore_mem>>)
        %dma_wait3A = tpu.memref_slice %arg3[%mul3A_30] : memref<819200xi32, #tpu.memory_space<hbm>> -> memref<1600xi32, #tpu.memory_space<hbm>>
        %dma_wait3A_40 = tpu.memref_slice %arg3[%mul3A_30] : memref<819200xi32, #tpu.memory_space<hbm>> -> memref<1600xi32, #tpu.memory_space<hbm>>
        tpu.wait_dma2 semaphore(%run_scoped3A : memref<!tpu.dma_semaphore, #tpu.memory_space<semaphore_mem>>) src(%dma_wait3A_40 : memref<1600xi32, #tpu.memory_space<hbm>>) dst(%arg12 : memref<1600xi32, #tpu.memory_space<vmem>>)
        tpu.yield
      }) : () -> ()
      %scan3A_31 = arith.constant 0 : i32
      %scan3A_32 = arith.constant 0 : i32
      %scan3A_33 = arith.constant 100 : i32
      %scan3A_34 = arith.addi %scan3A_32, %scan3A_33 : i32
      %scan3A_35 = arith.constant 1 : i32
      %scan3A_36 = scf.for %scan3A_39 = %scan3A_32 to %scan3A_34 step %scan3A_35 iter_args(%scan3A_40 = %scan3A_31) -> (i32)  : i32 {
        %mul3A_41 = arith.constant 16 : i32
        %mul3A_42 = arith.muli %scan3A_39, %mul3A_41 : i32
        %get3A = arith.index_cast %mul3A_42 : i32 to index
        %get3A_43 = tpu.vector_load %arg11[%get3A] {strides = array<i32>} : memref<1600xi32, #tpu.memory_space<vmem>>, vector<16xi32>,
        %mul3A_44 = arith.constant 16 : i32
        %mul3A_45 = arith.muli %scan3A_39, %mul3A_44 : i32
        %get3A_46 = arith.index_cast %mul3A_45 : i32 to index
        %get3A_47 = tpu.vector_load %arg12[%get3A_46] {strides = array<i32>} : memref<1600xi32, #tpu.memory_space<vmem>>, vector<16xi32>,
        %gather3A = tpu.vector_load_idx %arg9[%get3A_43] : memref<50176xf32, #tpu.memory_space<vmem>>[vector<16xi32>], vector<16xf32>,
        %gather3A_48 = tpu.vector_load_idx %arg10[%get3A_47] : memref<50176xf32, #tpu.memory_space<vmem>>[vector<16xi32>], vector<16xf32>,
        %add3A_49 = arith.addf %gather3A, %gather3A_48 : vector<16xf32>
        %mul3A_50 = arith.constant 2.000000e+00 : f32
        %mul3A_51 = vector.broadcast %mul3A_50 : f32 to vector<16xf32>
        %mul3A_52 = arith.mulf %add3A_49, %mul3A_51 : vector<16xf32>
        %exp3A = math.exp %mul3A_52 : vector<16xf32>
        %add3A_53 = arith.constant 1.000000e+00 : f32
        %add3A_54 = vector.broadcast %add3A_53 : f32 to vector<16xf32>
        %add3A_55 = arith.addf %exp3A, %add3A_54 : vector<16xf32>
        %div3A = arith.constant 2.000000e+00 : f32
        %div3A_56 = vector.broadcast %div3A : f32 to vector<16xf32>
        %div3A_57 = arith.divf %div3A_56, %add3A_55 : vector<16xf32>
        %sub3A = arith.constant 1.000000e+00 : f32
        %sub3A_58 = vector.broadcast %sub3A : f32 to vector<16xf32>
        %sub3A_59 = arith.subf %sub3A_58, %div3A_57 : vector<16xf32>
        %mul3A_60 = arith.constant 16 : i32
        %mul3A_61 = arith.muli %scan3A_39, %mul3A_60 : i32
        %swap3A = arith.index_cast %mul3A_61 : i32 to index
        %swap3A_62 = tpu.vector_load %arg13[%swap3A] {strides = array<i32>} : memref<1600xf32, #tpu.memory_space<vmem>>, vector<16xf32>,
        tpu.vector_store %arg13[%swap3A], %sub3A_59 {strides = array<i32>} : memref<1600xf32, #tpu.memory_space<vmem>>, vector<16xf32>,
        %mul3A_63 = arith.mulf %sub3A_59, %sub3A_59 : vector<16xf32>
        %mul3A_64 = arith.constant 16 : i32
        %mul3A_65 = arith.muli %scan3A_39, %mul3A_64 : i32
        %swap3A_66 = arith.index_cast %mul3A_65 : i32 to index
        %swap3A_67 = tpu.vector_load %arg14[%swap3A_66] {strides = array<i32>} : memref<1600xf32, #tpu.memory_space<vmem>>, vector<16xf32>,
        tpu.vector_store %arg14[%swap3A_66], %mul3A_63 {strides = array<i32>} : memref<1600xf32, #tpu.memory_space<vmem>>, vector<16xf32>,
        %scan3A_68 = arith.constant 0 : i32
        scf.yield %scan3A_68 : i32
      }
      %scan3A_37 = arith.constant 100 : i32
      "tpu.region"() ({
        %run_scoped3A = tpu.sem_alloc : memref<!tpu.dma_semaphore, #tpu.memory_space<semaphore_mem>>
        %dma_start3A = tpu.memref_slice %arg6[%mul3A_30] : memref<819200xf32, #tpu.memory_space<hbm>> -> memref<1600xf32, #tpu.memory_space<hbm>>
        %dma_start3A_39 = tpu.memref_slice %arg6[%mul3A_30] : memref<819200xf32, #tpu.memory_space<hbm>> -> memref<1600xf32, #tpu.memory_space<hbm>>
        tpu.enqueue_dma source(%arg13 : memref<1600xf32, #tpu.memory_space<vmem>>) target(%dma_start3A_39 : memref<1600xf32, #tpu.memory_space<hbm>>) target_semaphore(%run_scoped3A : memref<!tpu.dma_semaphore, #tpu.memory_space<semaphore_mem>>)
        %dma_wait3A = tpu.memref_slice %arg6[%mul3A_30] : memref<819200xf32, #tpu.memory_space<hbm>> -> memref<1600xf32, #tpu.memory_space<hbm>>
        %dma_wait3A_40 = tpu.memref_slice %arg6[%mul3A_30] : memref<819200xf32, #tpu.memory_space<hbm>> -> memref<1600xf32, #tpu.memory_space<hbm>>
        tpu.wait_dma2 semaphore(%run_scoped3A : memref<!tpu.dma_semaphore, #tpu.memory_space<semaphore_mem>>) src(%arg13 : memref<1600xf32, #tpu.memory_space<vmem>>) dst(%dma_wait3A_40 : memref<1600xf32, #tpu.memory_space<hbm>>)
        tpu.yield
      }) : () -> ()
      "tpu.region"() ({
        %run_scoped3A = tpu.sem_alloc : memref<!tpu.dma_semaphore, #tpu.memory_space<semaphore_mem>>
        %dma_start3A = arith.constant 0 : i32
        %dma_start3A_39 = tpu.memref_slice %arg16[%dma_start3A] : memref<50176xf32, #tpu.memory_space<vmem_shared>> -> memref<50176xf32, #tpu.memory_space<vmem_shared>>
        tpu.enqueue_indirect_dma source(%arg14 : memref<1600xf32, #tpu.memory_space<vmem>>) target(%dma_start3A_39 : memref<50176xf32, #tpu.memory_space<vmem_shared>>) offsets(%arg11 : memref<1600xi32, #tpu.memory_space<vmem>>) semaphore(%run_scoped3A : memref<!tpu.dma_semaphore, #tpu.memory_space<semaphore_mem>>) {add = true}
        %dma_wait3A = arith.constant 0 : i32
        %dma_wait3A_40 = tpu.memref_slice %arg16[%dma_wait3A] : memref<50176xf32, #tpu.memory_space<vmem_shared>> -> memref<50176xf32, #tpu.memory_space<vmem_shared>>
        tpu.wait_indirect_dma semaphore(%run_scoped3A : memref<!tpu.dma_semaphore, #tpu.memory_space<semaphore_mem>>) src(%arg14 : memref<1600xf32, #tpu.memory_space<vmem>>) dst(%dma_wait3A_40 : memref<50176xf32, #tpu.memory_space<vmem_shared>>)
        tpu.yield
      }) : () -> ()
      %scan3A_38 = arith.constant 0 : i32
      scf.yield %scan3A_38 : i32
    }
    %scan3A_15 = arith.constant 16 : i32
    %barrier3A_16 = arith.constant 0 : index
    tpu.barrier barrier_id(%barrier3A_16)
    %eq3A = arith.constant 0 : i32
    %eq3A_17 = arith.cmpi eq, %arg0, %eq3A : i32
    %convert_element_type3A = arith.extui %eq3A_17 : i1 to i32
    %cond3A = arith.constant 0 : i32
    %cond3A_18 = arith.cmpi ne, %convert_element_type3A, %cond3A : i32
    scf.if %cond3A_18 {
      %mul3A_24 = arith.constant 3136 : i32
      %mul3A_25 = arith.muli %arg1, %mul3A_24 : i32
      %mul3A_26 = arith.constant 3136 : i32
      %mul3A_27 = arith.muli %arg1, %mul3A_26 : i32
      "tpu.region"() ({
        %run_scoped3A = tpu.sem_alloc : memref<!tpu.dma_semaphore, #tpu.memory_space<semaphore_mem>>
        %dma_start3A = tpu.memref_slice %arg7[%mul3A_27] : memref<50176xf32, #tpu.memory_space<hbm>> -> memref<3136xf32, #tpu.memory_space<hbm>>
        %dma_start3A_28 = tpu.memref_slice %arg16[%mul3A_25] : memref<50176xf32, #tpu.memory_space<vmem_shared>> -> memref<3136xf32, #tpu.memory_space<vmem_shared>>
        tpu.enqueue_dma source(%dma_start3A_28 : memref<3136xf32, #tpu.memory_space<vmem_shared>>) target(%dma_start3A : memref<3136xf32, #tpu.memory_space<hbm>>) target_semaphore(%run_scoped3A : memref<!tpu.dma_semaphore, #tpu.memory_space<semaphore_mem>>)
        %dma_wait3A = tpu.memref_slice %arg7[%mul3A_27] : memref<50176xf32, #tpu.memory_space<hbm>> -> memref<3136xf32, #tpu.memory_space<hbm>>
        %dma_wait3A_29 = tpu.memref_slice %arg16[%mul3A_25] : memref<50176xf32, #tpu.memory_space<vmem_shared>> -> memref<3136xf32, #tpu.memory_space<vmem_shared>>
        tpu.wait_dma2 semaphore(%run_scoped3A : memref<!tpu.dma_semaphore, #tpu.memory_space<semaphore_mem>>) src(%dma_wait3A_29 : memref<3136xf32, #tpu.memory_space<vmem_shared>>) dst(%dma_wait3A : memref<3136xf32, #tpu.memory_space<hbm>>)
        tpu.yield
      }) : () -> ()
    } else {
    }
    %eq3A_19 = arith.constant 1 : i32
    %eq3A_20 = arith.cmpi eq, %arg0, %eq3A_19 : i32
    %convert_element_type3A_21 = arith.extui %eq3A_20 : i1 to i32
    %cond3A_22 = arith.constant 0 : i32
    %cond3A_23 = arith.cmpi ne, %convert_element_type3A_21, %cond3A_22 : i32
    scf.if %cond3A_23 {
      %mul3A_24 = arith.constant 3136 : i32
      %mul3A_25 = arith.muli %arg1, %mul3A_24 : i32
      %mul3A_26 = arith.constant 3136 : i32
      %mul3A_27 = arith.muli %arg1, %mul3A_26 : i32
      "tpu.region"() ({
        %run_scoped3A = tpu.sem_alloc : memref<!tpu.dma_semaphore, #tpu.memory_space<semaphore_mem>>
        %dma_start3A = tpu.memref_slice %arg8[%mul3A_27] : memref<50176xf32, #tpu.memory_space<hbm>> -> memref<3136xf32, #tpu.memory_space<hbm>>
        %dma_start3A_28 = tpu.memref_slice %arg16[%mul3A_25] : memref<50176xf32, #tpu.memory_space<vmem_shared>> -> memref<3136xf32, #tpu.memory_space<vmem_shared>>
        tpu.enqueue_dma source(%dma_start3A_28 : memref<3136xf32, #tpu.memory_space<vmem_shared>>) target(%dma_start3A : memref<3136xf32, #tpu.memory_space<hbm>>) target_semaphore(%run_scoped3A : memref<!tpu.dma_semaphore, #tpu.memory_space<semaphore_mem>>)
        %dma_wait3A = tpu.memref_slice %arg8[%mul3A_27] : memref<50176xf32, #tpu.memory_space<hbm>> -> memref<3136xf32, #tpu.memory_space<hbm>>
        %dma_wait3A_29 = tpu.memref_slice %arg16[%mul3A_25] : memref<50176xf32, #tpu.memory_space<vmem_shared>> -> memref<3136xf32, #tpu.memory_space<vmem_shared>>
        tpu.wait_dma2 semaphore(%run_scoped3A : memref<!tpu.dma_semaphore, #tpu.memory_space<semaphore_mem>>) src(%dma_wait3A_29 : memref<3136xf32, #tpu.memory_space<vmem_shared>>) dst(%dma_wait3A : memref<3136xf32, #tpu.memory_space<hbm>>)
        tpu.yield
      }) : () -> ()
    } else {
    }
    return
  }
}

#map = affine_map<(d0, d1) -> (0)>
#map1 = affine_map<(d0, d1) -> (0, 0, 0)>
module attributes {stable_mosaic.version = 14 : i64} {
  func.func @_sc_spmm(%arg0: i32, %arg1: i32, %arg2: memref<819200xi32, #tpu.memory_space<hbm>>, %arg3: memref<819200xi32, #tpu.memory_space<hbm>>, %arg4: memref<819200xf32, #tpu.memory_space<hbm>>, %arg5: memref<25088xi32, #tpu.memory_space<hbm>>, %arg6: memref<2x50176x32xbf16, #tpu.memory_space<hbm>>, %arg7: memref<2x50176x32xbf16, #tpu.memory_space<hbm>>, %arg8: memref<25088xi32, #tpu.memory_space<vmem>>, %arg9: memref<2x2x800xi32, #tpu.memory_space<vmem>>, %arg10: memref<800xf32, #tpu.memory_space<vmem>>, %arg11: memref<800xf32, #tpu.memory_space<vmem>>, %arg12: memref<800xf32, #tpu.memory_space<vmem>>, %arg13: memref<2x800x32xbf16, #tpu.memory_space<vmem>>, %arg14: memref<50176x32xbf16, #tpu.memory_space<vmem_shared>>, %arg15: memref<!tpu.dma_semaphore, #tpu.memory_space<semaphore_mem>>) attributes {dimension_semantics = [#tpu.dimension_semantics<core_parallel>, #tpu.dimension_semantics<subcore_parallel>], iteration_bounds = array<i64: 2, 16>, scalar_prefetch = 0 : i64, scratch_operands = 8 : i64, tpu.core_type = #tpu.core_type<sc_vector_subcore>, window_params = [{transform_indices = #map}, {transform_indices = #map}, {transform_indices = #map}, {transform_indices = #map}, {transform_indices = #map1}, {transform_indices = #map1}]} {
    %broadcast_in_dim3A = arith.constant 0.000000e+00 : bf16
    %broadcast_in_dim3A_0 = vector.broadcast %broadcast_in_dim3A : bf16 to vector<32xbf16>
    %scan3A = arith.constant 0 : i32
    %scan3A_1 = arith.constant 0 : i32
    %scan3A_2 = arith.constant 784 : i32
    %scan3A_3 = arith.addi %scan3A_1, %scan3A_2 : i32
    %scan3A_4 = arith.constant 1 : i32
    %scan3A_5 = scf.for %scan3A_62 = %scan3A_1 to %scan3A_3 step %scan3A_4 iter_args(%scan3A_63 = %scan3A) -> (i32)  : i32 {
      %swap3A = arith.constant 0 : i32
      %swap3A_64 = arith.index_cast %swap3A : i32 to index
      %swap3A_65 = arith.index_cast %scan3A_62 : i32 to index
      %swap3A_66 = arith.constant 0 : index
      %swap3A_67 = tpu.vector_load %arg13[%swap3A_64, %swap3A_65, %swap3A_66] {strides = array<i32>} : memref<2x800x32xbf16, #tpu.memory_space<vmem>>, vector<32xbf16>,
      tpu.vector_store %arg13[%swap3A_64, %swap3A_65, %swap3A_66], %broadcast_in_dim3A_0 {strides = array<i32>} : memref<2x800x32xbf16, #tpu.memory_space<vmem>>, vector<32xbf16>,
      %scan3A_68 = arith.constant 0 : i32
      scf.yield %scan3A_68 : i32
    }
    %scan3A_6 = arith.constant 784 : i32
    %mul3A = arith.constant 3136 : i32
    %mul3A_7 = arith.muli %arg1, %mul3A : i32
    %add3A = arith.constant 0 : i32
    %add3A_8 = arith.addi %mul3A_7, %add3A : i32
    %run_scoped3A = arith.constant 0 : i32
    "tpu.region"() ({
      %run_scoped3A_62 = tpu.sem_alloc : memref<!tpu.dma_semaphore, #tpu.memory_space<semaphore_mem>>
      %dma_start3A_63 = arith.constant 0 : i32
      %dma_start3A_64 = arith.constant 0 : i32
      %dma_start3A_65 = tpu.memref_slice %arg13[%run_scoped3A, %dma_start3A_63, %dma_start3A_64] : memref<2x800x32xbf16, #tpu.memory_space<vmem>> -> memref<1x800x32xbf16, #tpu.memory_space<vmem>>
      %dma_start3A_66 = tpu.memref_squeeze %dma_start3A_65 : memref<1x800x32xbf16, #tpu.memory_space<vmem>> -> memref<800x32xbf16, #tpu.memory_space<vmem>>
      %dma_start3A_67 = arith.constant 0 : i32
      %dma_start3A_68 = arith.constant 0 : i32
      %dma_start3A_69 = tpu.memref_slice %dma_start3A_66[%dma_start3A_67, %dma_start3A_68] : memref<800x32xbf16, #tpu.memory_space<vmem>> -> memref<784x32xbf16, #tpu.memory_space<vmem>>
      %dma_start3A_70 = arith.constant 0 : i32
      %dma_start3A_71 = tpu.memref_slice %arg14[%add3A_8, %dma_start3A_70] : memref<50176x32xbf16, #tpu.memory_space<vmem_shared>> -> memref<784x32xbf16, #tpu.memory_space<vmem_shared>>
      %dma_start3A_72 = arith.constant 0 : i32
      %dma_start3A_73 = tpu.memref_slice %arg14[%add3A_8, %dma_start3A_72] : memref<50176x32xbf16, #tpu.memory_space<vmem_shared>> -> memref<784x32xbf16, #tpu.memory_space<vmem_shared>>
      %dma_start3A_74 = arith.constant 0 : i32
      %dma_start3A_75 = arith.constant 0 : i32
      %dma_start3A_76 = tpu.memref_slice %arg13[%run_scoped3A, %dma_start3A_74, %dma_start3A_75] : memref<2x800x32xbf16, #tpu.memory_space<vmem>> -> memref<1x800x32xbf16, #tpu.memory_space<vmem>>
      %dma_start3A_77 = tpu.memref_squeeze %dma_start3A_76 : memref<1x800x32xbf16, #tpu.memory_space<vmem>> -> memref<800x32xbf16, #tpu.memory_space<vmem>>
      %dma_start3A_78 = arith.constant 0 : i32
      %dma_start3A_79 = arith.constant 0 : i32
      %dma_start3A_80 = tpu.memref_slice %dma_start3A_77[%dma_start3A_78, %dma_start3A_79] : memref<800x32xbf16, #tpu.memory_space<vmem>> -> memref<784x32xbf16, #tpu.memory_space<vmem>>
      tpu.enqueue_dma source(%dma_start3A_80 : memref<784x32xbf16, #tpu.memory_space<vmem>>) target(%dma_start3A_73 : memref<784x32xbf16, #tpu.memory_space<vmem_shared>>) target_semaphore(%run_scoped3A_62 : memref<!tpu.dma_semaphore, #tpu.memory_space<semaphore_mem>>)
      %dma_wait3A = arith.constant 0 : i32
      %dma_wait3A_81 = arith.constant 0 : i32
      %dma_wait3A_82 = tpu.memref_slice %arg13[%run_scoped3A, %dma_wait3A, %dma_wait3A_81] : memref<2x800x32xbf16, #tpu.memory_space<vmem>> -> memref<1x800x32xbf16, #tpu.memory_space<vmem>>
      %dma_wait3A_83 = tpu.memref_squeeze %dma_wait3A_82 : memref<1x800x32xbf16, #tpu.memory_space<vmem>> -> memref<800x32xbf16, #tpu.memory_space<vmem>>
      %dma_wait3A_84 = arith.constant 0 : i32
      %dma_wait3A_85 = arith.constant 0 : i32
      %dma_wait3A_86 = tpu.memref_slice %dma_wait3A_83[%dma_wait3A_84, %dma_wait3A_85] : memref<800x32xbf16, #tpu.memory_space<vmem>> -> memref<784x32xbf16, #tpu.memory_space<vmem>>
      %dma_wait3A_87 = arith.constant 0 : i32
      %dma_wait3A_88 = tpu.memref_slice %arg14[%add3A_8, %dma_wait3A_87] : memref<50176x32xbf16, #tpu.memory_space<vmem_shared>> -> memref<784x32xbf16, #tpu.memory_space<vmem_shared>>
      %dma_wait3A_89 = arith.constant 0 : i32
      %dma_wait3A_90 = tpu.memref_slice %arg14[%add3A_8, %dma_wait3A_89] : memref<50176x32xbf16, #tpu.memory_space<vmem_shared>> -> memref<784x32xbf16, #tpu.memory_space<vmem_shared>>
      %dma_wait3A_91 = arith.constant 0 : i32
      %dma_wait3A_92 = arith.constant 0 : i32
      %dma_wait3A_93 = tpu.memref_slice %arg13[%run_scoped3A, %dma_wait3A_91, %dma_wait3A_92] : memref<2x800x32xbf16, #tpu.memory_space<vmem>> -> memref<1x800x32xbf16, #tpu.memory_space<vmem>>
      %dma_wait3A_94 = tpu.memref_squeeze %dma_wait3A_93 : memref<1x800x32xbf16, #tpu.memory_space<vmem>> -> memref<800x32xbf16, #tpu.memory_space<vmem>>
      %dma_wait3A_95 = arith.constant 0 : i32
      %dma_wait3A_96 = arith.constant 0 : i32
      %dma_wait3A_97 = tpu.memref_slice %dma_wait3A_94[%dma_wait3A_95, %dma_wait3A_96] : memref<800x32xbf16, #tpu.memory_space<vmem>> -> memref<784x32xbf16, #tpu.memory_space<vmem>>
      tpu.wait_dma2 semaphore(%run_scoped3A_62 : memref<!tpu.dma_semaphore, #tpu.memory_space<semaphore_mem>>) src(%dma_wait3A_97 : memref<784x32xbf16, #tpu.memory_space<vmem>>) dst(%dma_wait3A_90 : memref<784x32xbf16, #tpu.memory_space<vmem_shared>>)
      tpu.yield
    }) : () -> ()
    %mul3A_9 = arith.constant 3136 : i32
    %mul3A_10 = arith.muli %arg1, %mul3A_9 : i32
    %add3A_11 = arith.constant 784 : i32
    %add3A_12 = arith.addi %mul3A_10, %add3A_11 : i32
    %run_scoped3A_13 = arith.constant 0 : i32
    "tpu.region"() ({
      %run_scoped3A_62 = tpu.sem_alloc : memref<!tpu.dma_semaphore, #tpu.memory_space<semaphore_mem>>
      %dma_start3A_63 = arith.constant 0 : i32
      %dma_start3A_64 = arith.constant 0 : i32
      %dma_start3A_65 = tpu.memref_slice %arg13[%run_scoped3A_13, %dma_start3A_63, %dma_start3A_64] : memref<2x800x32xbf16, #tpu.memory_space<vmem>> -> memref<1x800x32xbf16, #tpu.memory_space<vmem>>
      %dma_start3A_66 = tpu.memref_squeeze %dma_start3A_65 : memref<1x800x32xbf16, #tpu.memory_space<vmem>> -> memref<800x32xbf16, #tpu.memory_space<vmem>>
      %dma_start3A_67 = arith.constant 0 : i32
      %dma_start3A_68 = arith.constant 0 : i32
      %dma_start3A_69 = tpu.memref_slice %dma_start3A_66[%dma_start3A_67, %dma_start3A_68] : memref<800x32xbf16, #tpu.memory_space<vmem>> -> memref<784x32xbf16, #tpu.memory_space<vmem>>
      %dma_start3A_70 = arith.constant 0 : i32
      %dma_start3A_71 = tpu.memref_slice %arg14[%add3A_12, %dma_start3A_70] : memref<50176x32xbf16, #tpu.memory_space<vmem_shared>> -> memref<784x32xbf16, #tpu.memory_space<vmem_shared>>
      %dma_start3A_72 = arith.constant 0 : i32
      %dma_start3A_73 = tpu.memref_slice %arg14[%add3A_12, %dma_start3A_72] : memref<50176x32xbf16, #tpu.memory_space<vmem_shared>> -> memref<784x32xbf16, #tpu.memory_space<vmem_shared>>
      %dma_start3A_74 = arith.constant 0 : i32
      %dma_start3A_75 = arith.constant 0 : i32
      %dma_start3A_76 = tpu.memref_slice %arg13[%run_scoped3A_13, %dma_start3A_74, %dma_start3A_75] : memref<2x800x32xbf16, #tpu.memory_space<vmem>> -> memref<1x800x32xbf16, #tpu.memory_space<vmem>>
      %dma_start3A_77 = tpu.memref_squeeze %dma_start3A_76 : memref<1x800x32xbf16, #tpu.memory_space<vmem>> -> memref<800x32xbf16, #tpu.memory_space<vmem>>
      %dma_start3A_78 = arith.constant 0 : i32
      %dma_start3A_79 = arith.constant 0 : i32
      %dma_start3A_80 = tpu.memref_slice %dma_start3A_77[%dma_start3A_78, %dma_start3A_79] : memref<800x32xbf16, #tpu.memory_space<vmem>> -> memref<784x32xbf16, #tpu.memory_space<vmem>>
      tpu.enqueue_dma source(%dma_start3A_80 : memref<784x32xbf16, #tpu.memory_space<vmem>>) target(%dma_start3A_73 : memref<784x32xbf16, #tpu.memory_space<vmem_shared>>) target_semaphore(%run_scoped3A_62 : memref<!tpu.dma_semaphore, #tpu.memory_space<semaphore_mem>>)
      %dma_wait3A = arith.constant 0 : i32
      %dma_wait3A_81 = arith.constant 0 : i32
      %dma_wait3A_82 = tpu.memref_slice %arg13[%run_scoped3A_13, %dma_wait3A, %dma_wait3A_81] : memref<2x800x32xbf16, #tpu.memory_space<vmem>> -> memref<1x800x32xbf16, #tpu.memory_space<vmem>>
      %dma_wait3A_83 = tpu.memref_squeeze %dma_wait3A_82 : memref<1x800x32xbf16, #tpu.memory_space<vmem>> -> memref<800x32xbf16, #tpu.memory_space<vmem>>
      %dma_wait3A_84 = arith.constant 0 : i32
      %dma_wait3A_85 = arith.constant 0 : i32
      %dma_wait3A_86 = tpu.memref_slice %dma_wait3A_83[%dma_wait3A_84, %dma_wait3A_85] : memref<800x32xbf16, #tpu.memory_space<vmem>> -> memref<784x32xbf16, #tpu.memory_space<vmem>>
      %dma_wait3A_87 = arith.constant 0 : i32
      %dma_wait3A_88 = tpu.memref_slice %arg14[%add3A_12, %dma_wait3A_87] : memref<50176x32xbf16, #tpu.memory_space<vmem_shared>> -> memref<784x32xbf16, #tpu.memory_space<vmem_shared>>
      %dma_wait3A_89 = arith.constant 0 : i32
      %dma_wait3A_90 = tpu.memref_slice %arg14[%add3A_12, %dma_wait3A_89] : memref<50176x32xbf16, #tpu.memory_space<vmem_shared>> -> memref<784x32xbf16, #tpu.memory_space<vmem_shared>>
      %dma_wait3A_91 = arith.constant 0 : i32
      %dma_wait3A_92 = arith.constant 0 : i32
      %dma_wait3A_93 = tpu.memref_slice %arg13[%run_scoped3A_13, %dma_wait3A_91, %dma_wait3A_92] : memref<2x800x32xbf16, #tpu.memory_space<vmem>> -> memref<1x800x32xbf16, #tpu.memory_space<vmem>>
      %dma_wait3A_94 = tpu.memref_squeeze %dma_wait3A_93 : memref<1x800x32xbf16, #tpu.memory_space<vmem>> -> memref<800x32xbf16, #tpu.memory_space<vmem>>
      %dma_wait3A_95 = arith.constant 0 : i32
      %dma_wait3A_96 = arith.constant 0 : i32
      %dma_wait3A_97 = tpu.memref_slice %dma_wait3A_94[%dma_wait3A_95, %dma_wait3A_96] : memref<800x32xbf16, #tpu.memory_space<vmem>> -> memref<784x32xbf16, #tpu.memory_space<vmem>>
      tpu.wait_dma2 semaphore(%run_scoped3A_62 : memref<!tpu.dma_semaphore, #tpu.memory_space<semaphore_mem>>) src(%dma_wait3A_97 : memref<784x32xbf16, #tpu.memory_space<vmem>>) dst(%dma_wait3A_90 : memref<784x32xbf16, #tpu.memory_space<vmem_shared>>)
      tpu.yield
    }) : () -> ()
    %mul3A_14 = arith.constant 3136 : i32
    %mul3A_15 = arith.muli %arg1, %mul3A_14 : i32
    %add3A_16 = arith.constant 1568 : i32
    %add3A_17 = arith.addi %mul3A_15, %add3A_16 : i32
    %run_scoped3A_18 = arith.constant 0 : i32
    "tpu.region"() ({
      %run_scoped3A_62 = tpu.sem_alloc : memref<!tpu.dma_semaphore, #tpu.memory_space<semaphore_mem>>
      %dma_start3A_63 = arith.constant 0 : i32
      %dma_start3A_64 = arith.constant 0 : i32
      %dma_start3A_65 = tpu.memref_slice %arg13[%run_scoped3A_18, %dma_start3A_63, %dma_start3A_64] : memref<2x800x32xbf16, #tpu.memory_space<vmem>> -> memref<1x800x32xbf16, #tpu.memory_space<vmem>>
      %dma_start3A_66 = tpu.memref_squeeze %dma_start3A_65 : memref<1x800x32xbf16, #tpu.memory_space<vmem>> -> memref<800x32xbf16, #tpu.memory_space<vmem>>
      %dma_start3A_67 = arith.constant 0 : i32
      %dma_start3A_68 = arith.constant 0 : i32
      %dma_start3A_69 = tpu.memref_slice %dma_start3A_66[%dma_start3A_67, %dma_start3A_68] : memref<800x32xbf16, #tpu.memory_space<vmem>> -> memref<784x32xbf16, #tpu.memory_space<vmem>>
      %dma_start3A_70 = arith.constant 0 : i32
      %dma_start3A_71 = tpu.memref_slice %arg14[%add3A_17, %dma_start3A_70] : memref<50176x32xbf16, #tpu.memory_space<vmem_shared>> -> memref<784x32xbf16, #tpu.memory_space<vmem_shared>>
      %dma_start3A_72 = arith.constant 0 : i32
      %dma_start3A_73 = tpu.memref_slice %arg14[%add3A_17, %dma_start3A_72] : memref<50176x32xbf16, #tpu.memory_space<vmem_shared>> -> memref<784x32xbf16, #tpu.memory_space<vmem_shared>>
      %dma_start3A_74 = arith.constant 0 : i32
      %dma_start3A_75 = arith.constant 0 : i32
      %dma_start3A_76 = tpu.memref_slice %arg13[%run_scoped3A_18, %dma_start3A_74, %dma_start3A_75] : memref<2x800x32xbf16, #tpu.memory_space<vmem>> -> memref<1x800x32xbf16, #tpu.memory_space<vmem>>
      %dma_start3A_77 = tpu.memref_squeeze %dma_start3A_76 : memref<1x800x32xbf16, #tpu.memory_space<vmem>> -> memref<800x32xbf16, #tpu.memory_space<vmem>>
      %dma_start3A_78 = arith.constant 0 : i32
      %dma_start3A_79 = arith.constant 0 : i32
      %dma_start3A_80 = tpu.memref_slice %dma_start3A_77[%dma_start3A_78, %dma_start3A_79] : memref<800x32xbf16, #tpu.memory_space<vmem>> -> memref<784x32xbf16, #tpu.memory_space<vmem>>
      tpu.enqueue_dma source(%dma_start3A_80 : memref<784x32xbf16, #tpu.memory_space<vmem>>) target(%dma_start3A_73 : memref<784x32xbf16, #tpu.memory_space<vmem_shared>>) target_semaphore(%run_scoped3A_62 : memref<!tpu.dma_semaphore, #tpu.memory_space<semaphore_mem>>)
      %dma_wait3A = arith.constant 0 : i32
      %dma_wait3A_81 = arith.constant 0 : i32
      %dma_wait3A_82 = tpu.memref_slice %arg13[%run_scoped3A_18, %dma_wait3A, %dma_wait3A_81] : memref<2x800x32xbf16, #tpu.memory_space<vmem>> -> memref<1x800x32xbf16, #tpu.memory_space<vmem>>
      %dma_wait3A_83 = tpu.memref_squeeze %dma_wait3A_82 : memref<1x800x32xbf16, #tpu.memory_space<vmem>> -> memref<800x32xbf16, #tpu.memory_space<vmem>>
      %dma_wait3A_84 = arith.constant 0 : i32
      %dma_wait3A_85 = arith.constant 0 : i32
      %dma_wait3A_86 = tpu.memref_slice %dma_wait3A_83[%dma_wait3A_84, %dma_wait3A_85] : memref<800x32xbf16, #tpu.memory_space<vmem>> -> memref<784x32xbf16, #tpu.memory_space<vmem>>
      %dma_wait3A_87 = arith.constant 0 : i32
      %dma_wait3A_88 = tpu.memref_slice %arg14[%add3A_17, %dma_wait3A_87] : memref<50176x32xbf16, #tpu.memory_space<vmem_shared>> -> memref<784x32xbf16, #tpu.memory_space<vmem_shared>>
      %dma_wait3A_89 = arith.constant 0 : i32
      %dma_wait3A_90 = tpu.memref_slice %arg14[%add3A_17, %dma_wait3A_89] : memref<50176x32xbf16, #tpu.memory_space<vmem_shared>> -> memref<784x32xbf16, #tpu.memory_space<vmem_shared>>
      %dma_wait3A_91 = arith.constant 0 : i32
      %dma_wait3A_92 = arith.constant 0 : i32
      %dma_wait3A_93 = tpu.memref_slice %arg13[%run_scoped3A_18, %dma_wait3A_91, %dma_wait3A_92] : memref<2x800x32xbf16, #tpu.memory_space<vmem>> -> memref<1x800x32xbf16, #tpu.memory_space<vmem>>
      %dma_wait3A_94 = tpu.memref_squeeze %dma_wait3A_93 : memref<1x800x32xbf16, #tpu.memory_space<vmem>> -> memref<800x32xbf16, #tpu.memory_space<vmem>>
      %dma_wait3A_95 = arith.constant 0 : i32
      %dma_wait3A_96 = arith.constant 0 : i32
      %dma_wait3A_97 = tpu.memref_slice %dma_wait3A_94[%dma_wait3A_95, %dma_wait3A_96] : memref<800x32xbf16, #tpu.memory_space<vmem>> -> memref<784x32xbf16, #tpu.memory_space<vmem>>
      tpu.wait_dma2 semaphore(%run_scoped3A_62 : memref<!tpu.dma_semaphore, #tpu.memory_space<semaphore_mem>>) src(%dma_wait3A_97 : memref<784x32xbf16, #tpu.memory_space<vmem>>) dst(%dma_wait3A_90 : memref<784x32xbf16, #tpu.memory_space<vmem_shared>>)
      tpu.yield
    }) : () -> ()
    %mul3A_19 = arith.constant 3136 : i32
    %mul3A_20 = arith.muli %arg1, %mul3A_19 : i32
    %add3A_21 = arith.constant 2352 : i32
    %add3A_22 = arith.addi %mul3A_20, %add3A_21 : i32
    %run_scoped3A_23 = arith.constant 0 : i32
    "tpu.region"() ({
      %run_scoped3A_62 = tpu.sem_alloc : memref<!tpu.dma_semaphore, #tpu.memory_space<semaphore_mem>>
      %dma_start3A_63 = arith.constant 0 : i32
      %dma_start3A_64 = arith.constant 0 : i32
      %dma_start3A_65 = tpu.memref_slice %arg13[%run_scoped3A_23, %dma_start3A_63, %dma_start3A_64] : memref<2x800x32xbf16, #tpu.memory_space<vmem>> -> memref<1x800x32xbf16, #tpu.memory_space<vmem>>
      %dma_start3A_66 = tpu.memref_squeeze %dma_start3A_65 : memref<1x800x32xbf16, #tpu.memory_space<vmem>> -> memref<800x32xbf16, #tpu.memory_space<vmem>>
      %dma_start3A_67 = arith.constant 0 : i32
      %dma_start3A_68 = arith.constant 0 : i32
      %dma_start3A_69 = tpu.memref_slice %dma_start3A_66[%dma_start3A_67, %dma_start3A_68] : memref<800x32xbf16, #tpu.memory_space<vmem>> -> memref<784x32xbf16, #tpu.memory_space<vmem>>
      %dma_start3A_70 = arith.constant 0 : i32
      %dma_start3A_71 = tpu.memref_slice %arg14[%add3A_22, %dma_start3A_70] : memref<50176x32xbf16, #tpu.memory_space<vmem_shared>> -> memref<784x32xbf16, #tpu.memory_space<vmem_shared>>
      %dma_start3A_72 = arith.constant 0 : i32
      %dma_start3A_73 = tpu.memref_slice %arg14[%add3A_22, %dma_start3A_72] : memref<50176x32xbf16, #tpu.memory_space<vmem_shared>> -> memref<784x32xbf16, #tpu.memory_space<vmem_shared>>
      %dma_start3A_74 = arith.constant 0 : i32
      %dma_start3A_75 = arith.constant 0 : i32
      %dma_start3A_76 = tpu.memref_slice %arg13[%run_scoped3A_23, %dma_start3A_74, %dma_start3A_75] : memref<2x800x32xbf16, #tpu.memory_space<vmem>> -> memref<1x800x32xbf16, #tpu.memory_space<vmem>>
      %dma_start3A_77 = tpu.memref_squeeze %dma_start3A_76 : memref<1x800x32xbf16, #tpu.memory_space<vmem>> -> memref<800x32xbf16, #tpu.memory_space<vmem>>
      %dma_start3A_78 = arith.constant 0 : i32
      %dma_start3A_79 = arith.constant 0 : i32
      %dma_start3A_80 = tpu.memref_slice %dma_start3A_77[%dma_start3A_78, %dma_start3A_79] : memref<800x32xbf16, #tpu.memory_space<vmem>> -> memref<784x32xbf16, #tpu.memory_space<vmem>>
      tpu.enqueue_dma source(%dma_start3A_80 : memref<784x32xbf16, #tpu.memory_space<vmem>>) target(%dma_start3A_73 : memref<784x32xbf16, #tpu.memory_space<vmem_shared>>) target_semaphore(%run_scoped3A_62 : memref<!tpu.dma_semaphore, #tpu.memory_space<semaphore_mem>>)
      %dma_wait3A = arith.constant 0 : i32
      %dma_wait3A_81 = arith.constant 0 : i32
      %dma_wait3A_82 = tpu.memref_slice %arg13[%run_scoped3A_23, %dma_wait3A, %dma_wait3A_81] : memref<2x800x32xbf16, #tpu.memory_space<vmem>> -> memref<1x800x32xbf16, #tpu.memory_space<vmem>>
      %dma_wait3A_83 = tpu.memref_squeeze %dma_wait3A_82 : memref<1x800x32xbf16, #tpu.memory_space<vmem>> -> memref<800x32xbf16, #tpu.memory_space<vmem>>
      %dma_wait3A_84 = arith.constant 0 : i32
      %dma_wait3A_85 = arith.constant 0 : i32
      %dma_wait3A_86 = tpu.memref_slice %dma_wait3A_83[%dma_wait3A_84, %dma_wait3A_85] : memref<800x32xbf16, #tpu.memory_space<vmem>> -> memref<784x32xbf16, #tpu.memory_space<vmem>>
      %dma_wait3A_87 = arith.constant 0 : i32
      %dma_wait3A_88 = tpu.memref_slice %arg14[%add3A_22, %dma_wait3A_87] : memref<50176x32xbf16, #tpu.memory_space<vmem_shared>> -> memref<784x32xbf16, #tpu.memory_space<vmem_shared>>
      %dma_wait3A_89 = arith.constant 0 : i32
      %dma_wait3A_90 = tpu.memref_slice %arg14[%add3A_22, %dma_wait3A_89] : memref<50176x32xbf16, #tpu.memory_space<vmem_shared>> -> memref<784x32xbf16, #tpu.memory_space<vmem_shared>>
      %dma_wait3A_91 = arith.constant 0 : i32
      %dma_wait3A_92 = arith.constant 0 : i32
      %dma_wait3A_93 = tpu.memref_slice %arg13[%run_scoped3A_23, %dma_wait3A_91, %dma_wait3A_92] : memref<2x800x32xbf16, #tpu.memory_space<vmem>> -> memref<1x800x32xbf16, #tpu.memory_space<vmem>>
      %dma_wait3A_94 = tpu.memref_squeeze %dma_wait3A_93 : memref<1x800x32xbf16, #tpu.memory_space<vmem>> -> memref<800x32xbf16, #tpu.memory_space<vmem>>
      %dma_wait3A_95 = arith.constant 0 : i32
      %dma_wait3A_96 = arith.constant 0 : i32
      %dma_wait3A_97 = tpu.memref_slice %dma_wait3A_94[%dma_wait3A_95, %dma_wait3A_96] : memref<800x32xbf16, #tpu.memory_space<vmem>> -> memref<784x32xbf16, #tpu.memory_space<vmem>>
      tpu.wait_dma2 semaphore(%run_scoped3A_62 : memref<!tpu.dma_semaphore, #tpu.memory_space<semaphore_mem>>) src(%dma_wait3A_97 : memref<784x32xbf16, #tpu.memory_space<vmem>>) dst(%dma_wait3A_90 : memref<784x32xbf16, #tpu.memory_space<vmem_shared>>)
      tpu.yield
    }) : () -> ()
    "tpu.region"() ({
      %run_scoped3A_62 = tpu.sem_alloc : memref<!tpu.dma_semaphore, #tpu.memory_space<semaphore_mem>>
      tpu.enqueue_dma source(%arg5 : memref<25088xi32, #tpu.memory_space<hbm>>) target(%arg8 : memref<25088xi32, #tpu.memory_space<vmem>>) target_semaphore(%run_scoped3A_62 : memref<!tpu.dma_semaphore, #tpu.memory_space<semaphore_mem>>)
      tpu.wait_dma2 semaphore(%run_scoped3A_62 : memref<!tpu.dma_semaphore, #tpu.memory_space<semaphore_mem>>) src(%arg5 : memref<25088xi32, #tpu.memory_space<hbm>>) dst(%arg8 : memref<25088xi32, #tpu.memory_space<vmem>>)
      tpu.yield
    }) : () -> ()
    %barrier3A = arith.constant 0 : index
    tpu.barrier barrier_id(%barrier3A)
    %mul3A_24 = arith.constant 64 : i32
    %mul3A_25 = arith.muli %arg1, %mul3A_24 : i32
    %add3A_26 = arith.constant 0 : i32
    %add3A_27 = arith.addi %mul3A_25, %add3A_26 : i32
    %mul3A_28 = arith.constant 800 : i32
    %mul3A_29 = arith.muli %add3A_27, %mul3A_28 : i32
    %run_scoped3A_30 = arith.constant 0 : i32
    %run_scoped3A_31 = arith.constant 0 : i32
    "tpu.region"() ({
      %run_scoped3A_62 = tpu.sem_alloc : memref<!tpu.dma_semaphore, #tpu.memory_space<semaphore_mem>>
      %dma_start3A_63 = arith.constant 0 : i32
      %dma_start3A_64 = tpu.memref_slice %arg9[%run_scoped3A_30, %run_scoped3A_31, %dma_start3A_63] : memref<2x2x800xi32, #tpu.memory_space<vmem>> -> memref<1x1x800xi32, #tpu.memory_space<vmem>>
      %dma_start3A_65 = tpu.memref_squeeze %dma_start3A_64 : memref<1x1x800xi32, #tpu.memory_space<vmem>> -> memref<800xi32, #tpu.memory_space<vmem>>
      %dma_start3A_66 = tpu.memref_slice %arg2[%mul3A_29] : memref<819200xi32, #tpu.memory_space<hbm>> -> memref<800xi32, #tpu.memory_space<hbm>>
      %dma_start3A_67 = arith.constant 0 : i32
      %dma_start3A_68 = tpu.memref_slice %arg9[%run_scoped3A_30, %run_scoped3A_31, %dma_start3A_67] : memref<2x2x800xi32, #tpu.memory_space<vmem>> -> memref<1x1x800xi32, #tpu.memory_space<vmem>>
      %dma_start3A_69 = tpu.memref_squeeze %dma_start3A_68 : memref<1x1x800xi32, #tpu.memory_space<vmem>> -> memref<800xi32, #tpu.memory_space<vmem>>
      %dma_start3A_70 = tpu.memref_slice %arg2[%mul3A_29] : memref<819200xi32, #tpu.memory_space<hbm>> -> memref<800xi32, #tpu.memory_space<hbm>>
      tpu.enqueue_dma source(%dma_start3A_70 : memref<800xi32, #tpu.memory_space<hbm>>) target(%dma_start3A_69 : memref<800xi32, #tpu.memory_space<vmem>>) target_semaphore(%run_scoped3A_62 : memref<!tpu.dma_semaphore, #tpu.memory_space<semaphore_mem>>)
      %dma_wait3A = arith.constant 0 : i32
      %dma_wait3A_71 = tpu.memref_slice %arg9[%run_scoped3A_30, %run_scoped3A_31, %dma_wait3A] : memref<2x2x800xi32, #tpu.memory_space<vmem>> -> memref<1x1x800xi32, #tpu.memory_space<vmem>>
      %dma_wait3A_72 = tpu.memref_squeeze %dma_wait3A_71 : memref<1x1x800xi32, #tpu.memory_space<vmem>> -> memref<800xi32, #tpu.memory_space<vmem>>
      %dma_wait3A_73 = tpu.memref_slice %arg2[%mul3A_29] : memref<819200xi32, #tpu.memory_space<hbm>> -> memref<800xi32, #tpu.memory_space<hbm>>
      %dma_wait3A_74 = arith.constant 0 : i32
      %dma_wait3A_75 = tpu.memref_slice %arg9[%run_scoped3A_30, %run_scoped3A_31, %dma_wait3A_74] : memref<2x2x800xi32, #tpu.memory_space<vmem>> -> memref<1x1x800xi32, #tpu.memory_space<vmem>>
      %dma_wait3A_76 = tpu.memref_squeeze %dma_wait3A_75 : memref<1x1x800xi32, #tpu.memory_space<vmem>> -> memref<800xi32, #tpu.memory_space<vmem>>
      %dma_wait3A_77 = tpu.memref_slice %arg2[%mul3A_29] : memref<819200xi32, #tpu.memory_space<hbm>> -> memref<800xi32, #tpu.memory_space<hbm>>
      tpu.wait_dma2 semaphore(%run_scoped3A_62 : memref<!tpu.dma_semaphore, #tpu.memory_space<semaphore_mem>>) src(%dma_wait3A_77 : memref<800xi32, #tpu.memory_space<hbm>>) dst(%dma_wait3A_76 : memref<800xi32, #tpu.memory_space<vmem>>)
      tpu.yield
    }) : () -> ()
    %run_scoped3A_32 = arith.constant 0 : i32
    %run_scoped3A_33 = arith.constant 1 : i32
    "tpu.region"() ({
      %run_scoped3A_62 = tpu.sem_alloc : memref<!tpu.dma_semaphore, #tpu.memory_space<semaphore_mem>>
      %dma_start3A_63 = arith.constant 0 : i32
      %dma_start3A_64 = tpu.memref_slice %arg9[%run_scoped3A_32, %run_scoped3A_33, %dma_start3A_63] : memref<2x2x800xi32, #tpu.memory_space<vmem>> -> memref<1x1x800xi32, #tpu.memory_space<vmem>>
      %dma_start3A_65 = tpu.memref_squeeze %dma_start3A_64 : memref<1x1x800xi32, #tpu.memory_space<vmem>> -> memref<800xi32, #tpu.memory_space<vmem>>
      %dma_start3A_66 = tpu.memref_slice %arg3[%mul3A_29] : memref<819200xi32, #tpu.memory_space<hbm>> -> memref<800xi32, #tpu.memory_space<hbm>>
      %dma_start3A_67 = arith.constant 0 : i32
      %dma_start3A_68 = tpu.memref_slice %arg9[%run_scoped3A_32, %run_scoped3A_33, %dma_start3A_67] : memref<2x2x800xi32, #tpu.memory_space<vmem>> -> memref<1x1x800xi32, #tpu.memory_space<vmem>>
      %dma_start3A_69 = tpu.memref_squeeze %dma_start3A_68 : memref<1x1x800xi32, #tpu.memory_space<vmem>> -> memref<800xi32, #tpu.memory_space<vmem>>
      %dma_start3A_70 = tpu.memref_slice %arg3[%mul3A_29] : memref<819200xi32, #tpu.memory_space<hbm>> -> memref<800xi32, #tpu.memory_space<hbm>>
      tpu.enqueue_dma source(%dma_start3A_70 : memref<800xi32, #tpu.memory_space<hbm>>) target(%dma_start3A_69 : memref<800xi32, #tpu.memory_space<vmem>>) target_semaphore(%run_scoped3A_62 : memref<!tpu.dma_semaphore, #tpu.memory_space<semaphore_mem>>)
      %dma_wait3A = arith.constant 0 : i32
      %dma_wait3A_71 = tpu.memref_slice %arg9[%run_scoped3A_32, %run_scoped3A_33, %dma_wait3A] : memref<2x2x800xi32, #tpu.memory_space<vmem>> -> memref<1x1x800xi32, #tpu.memory_space<vmem>>
      %dma_wait3A_72 = tpu.memref_squeeze %dma_wait3A_71 : memref<1x1x800xi32, #tpu.memory_space<vmem>> -> memref<800xi32, #tpu.memory_space<vmem>>
      %dma_wait3A_73 = tpu.memref_slice %arg3[%mul3A_29] : memref<819200xi32, #tpu.memory_space<hbm>> -> memref<800xi32, #tpu.memory_space<hbm>>
      %dma_wait3A_74 = arith.constant 0 : i32
      %dma_wait3A_75 = tpu.memref_slice %arg9[%run_scoped3A_32, %run_scoped3A_33, %dma_wait3A_74] : memref<2x2x800xi32, #tpu.memory_space<vmem>> -> memref<1x1x800xi32, #tpu.memory_space<vmem>>
      %dma_wait3A_76 = tpu.memref_squeeze %dma_wait3A_75 : memref<1x1x800xi32, #tpu.memory_space<vmem>> -> memref<800xi32, #tpu.memory_space<vmem>>
      %dma_wait3A_77 = tpu.memref_slice %arg3[%mul3A_29] : memref<819200xi32, #tpu.memory_space<hbm>> -> memref<800xi32, #tpu.memory_space<hbm>>
      tpu.wait_dma2 semaphore(%run_scoped3A_62 : memref<!tpu.dma_semaphore, #tpu.memory_space<semaphore_mem>>) src(%dma_wait3A_77 : memref<800xi32, #tpu.memory_space<hbm>>) dst(%dma_wait3A_76 : memref<800xi32, #tpu.memory_space<vmem>>)
      tpu.yield
    }) : () -> ()
    %dma_start3A = arith.constant 0 : i32
    %dma_start3A_34 = arith.constant 1 : i32
    %dma_start3A_35 = arith.constant 0 : i32
    %dma_start3A_36 = arith.constant 0 : i32
    %dma_start3A_37 = arith.constant 0 : i32
    %dma_start3A_38 = tpu.memref_slice %arg13[%dma_start3A_35, %dma_start3A_36, %dma_start3A_37] : memref<2x800x32xbf16, #tpu.memory_space<vmem>> -> memref<1x800x32xbf16, #tpu.memory_space<vmem>>
    %dma_start3A_39 = tpu.memref_squeeze %dma_start3A_38 : memref<1x800x32xbf16, #tpu.memory_space<vmem>> -> memref<800x32xbf16, #tpu.memory_space<vmem>>
    %dma_start3A_40 = arith.constant 0 : i32
    %dma_start3A_41 = tpu.memref_slice %arg9[%dma_start3A, %dma_start3A_34, %dma_start3A_40] : memref<2x2x800xi32, #tpu.memory_space<vmem>> -> memref<1x1x800xi32, #tpu.memory_space<vmem>>
    %dma_start3A_42 = tpu.memref_squeeze %dma_start3A_41 : memref<1x1x800xi32, #tpu.memory_space<vmem>> -> memref<800xi32, #tpu.memory_space<vmem>>
    %dma_start3A_43 = arith.constant 0 : i32
    %dma_start3A_44 = arith.constant 0 : i32
    %dma_start3A_45 = tpu.memref_slice %arg6[%arg0, %dma_start3A_43, %dma_start3A_44] : memref<2x50176x32xbf16, #tpu.memory_space<hbm>> -> memref<1x50176x32xbf16, #tpu.memory_space<hbm>>
    %dma_start3A_46 = tpu.memref_squeeze %dma_start3A_45 : memref<1x50176x32xbf16, #tpu.memory_space<hbm>> -> memref<50176x32xbf16, #tpu.memory_space<hbm>>
    %dma_start3A_47 = arith.constant 0 : i32
    %dma_start3A_48 = arith.constant 0 : i32
    %dma_start3A_49 = tpu.memref_slice %dma_start3A_46[%dma_start3A_47, %dma_start3A_48] : memref<50176x32xbf16, #tpu.memory_space<hbm>> -> memref<50176x32xbf16, #tpu.memory_space<hbm>>
    tpu.enqueue_indirect_dma source(%dma_start3A_49 : memref<50176x32xbf16, #tpu.memory_space<hbm>>) target(%dma_start3A_39 : memref<800x32xbf16, #tpu.memory_space<vmem>>) offsets(%dma_start3A_42 : memref<800xi32, #tpu.memory_space<vmem>>) semaphore(%arg15 : memref<!tpu.dma_semaphore, #tpu.memory_space<semaphore_mem>>)
    %scan3A_50 = arith.constant 0 : i32
    %scan3A_51 = arith.constant 0 : i32
    %scan3A_52 = arith.constant 64 : i32
    %scan3A_53 = arith.addi %scan3A_51, %scan3A_52 : i32
    %scan3A_54 = arith.constant 1 : i32
    %scan3A_55 = scf.for %scan3A_62 = %scan3A_51 to %scan3A_53 step %scan3A_54 iter_args(%scan3A_63 = %scan3A_50) -> (i32)  : i32 {
      %and3A = arith.constant 1 : i32
      %and3A_64 = arith.andi %scan3A_62, %and3A : i32
      %add3A_65 = arith.constant 1 : i32
      %add3A_66 = arith.addi %scan3A_62, %add3A_65 : i32
      %lt3A = arith.constant 64 : i32
      %lt3A_67 = arith.cmpi slt, %add3A_66, %lt3A : i32
      %convert_element_type3A = arith.extui %lt3A_67 : i1 to i32
      %cond3A = arith.constant 0 : i32
      %cond3A_68 = arith.cmpi ne, %convert_element_type3A, %cond3A : i32
      scf.if %cond3A_68 {
        %add3A_114 = arith.constant 1 : i32
        %add3A_115 = arith.addi %scan3A_62, %add3A_114 : i32
        %sub3A_116 = arith.constant 1 : i32
        %sub3A_117 = arith.subi %sub3A_116, %and3A_64 : i32
        %add3A_118 = arith.addi %mul3A_25, %add3A_115 : i32
        %mul3A_119 = arith.constant 800 : i32
        %mul3A_120 = arith.muli %add3A_118, %mul3A_119 : i32
        %run_scoped3A_121 = arith.constant 0 : i32
        "tpu.region"() ({
          %run_scoped3A_138 = tpu.sem_alloc : memref<!tpu.dma_semaphore, #tpu.memory_space<semaphore_mem>>
          %dma_start3A_139 = arith.constant 0 : i32
          %dma_start3A_140 = tpu.memref_slice %arg9[%sub3A_117, %run_scoped3A_121, %dma_start3A_139] : memref<2x2x800xi32, #tpu.memory_space<vmem>> -> memref<1x1x800xi32, #tpu.memory_space<vmem>>
          %dma_start3A_141 = tpu.memref_squeeze %dma_start3A_140 : memref<1x1x800xi32, #tpu.memory_space<vmem>> -> memref<800xi32, #tpu.memory_space<vmem>>
          %dma_start3A_142 = tpu.memref_slice %arg2[%mul3A_120] : memref<819200xi32, #tpu.memory_space<hbm>> -> memref<800xi32, #tpu.memory_space<hbm>>
          %dma_start3A_143 = arith.constant 0 : i32
          %dma_start3A_144 = tpu.memref_slice %arg9[%sub3A_117, %run_scoped3A_121, %dma_start3A_143] : memref<2x2x800xi32, #tpu.memory_space<vmem>> -> memref<1x1x800xi32, #tpu.memory_space<vmem>>
          %dma_start3A_145 = tpu.memref_squeeze %dma_start3A_144 : memref<1x1x800xi32, #tpu.memory_space<vmem>> -> memref<800xi32, #tpu.memory_space<vmem>>
          %dma_start3A_146 = tpu.memref_slice %arg2[%mul3A_120] : memref<819200xi32, #tpu.memory_space<hbm>> -> memref<800xi32, #tpu.memory_space<hbm>>
          tpu.enqueue_dma source(%dma_start3A_146 : memref<800xi32, #tpu.memory_space<hbm>>) target(%dma_start3A_145 : memref<800xi32, #tpu.memory_space<vmem>>) target_semaphore(%run_scoped3A_138 : memref<!tpu.dma_semaphore, #tpu.memory_space<semaphore_mem>>)
          %dma_wait3A_147 = arith.constant 0 : i32
          %dma_wait3A_148 = tpu.memref_slice %arg9[%sub3A_117, %run_scoped3A_121, %dma_wait3A_147] : memref<2x2x800xi32, #tpu.memory_space<vmem>> -> memref<1x1x800xi32, #tpu.memory_space<vmem>>
          %dma_wait3A_149 = tpu.memref_squeeze %dma_wait3A_148 : memref<1x1x800xi32, #tpu.memory_space<vmem>> -> memref<800xi32, #tpu.memory_space<vmem>>
          %dma_wait3A_150 = tpu.memref_slice %arg2[%mul3A_120] : memref<819200xi32, #tpu.memory_space<hbm>> -> memref<800xi32, #tpu.memory_space<hbm>>
          %dma_wait3A_151 = arith.constant 0 : i32
          %dma_wait3A_152 = tpu.memref_slice %arg9[%sub3A_117, %run_scoped3A_121, %dma_wait3A_151] : memref<2x2x800xi32, #tpu.memory_space<vmem>> -> memref<1x1x800xi32, #tpu.memory_space<vmem>>
          %dma_wait3A_153 = tpu.memref_squeeze %dma_wait3A_152 : memref<1x1x800xi32, #tpu.memory_space<vmem>> -> memref<800xi32, #tpu.memory_space<vmem>>
          %dma_wait3A_154 = tpu.memref_slice %arg2[%mul3A_120] : memref<819200xi32, #tpu.memory_space<hbm>> -> memref<800xi32, #tpu.memory_space<hbm>>
          tpu.wait_dma2 semaphore(%run_scoped3A_138 : memref<!tpu.dma_semaphore, #tpu.memory_space<semaphore_mem>>) src(%dma_wait3A_154 : memref<800xi32, #tpu.memory_space<hbm>>) dst(%dma_wait3A_153 : memref<800xi32, #tpu.memory_space<vmem>>)
          tpu.yield
        }) : () -> ()
        %run_scoped3A_122 = arith.constant 1 : i32
        "tpu.region"() ({
          %run_scoped3A_138 = tpu.sem_alloc : memref<!tpu.dma_semaphore, #tpu.memory_space<semaphore_mem>>
          %dma_start3A_139 = arith.constant 0 : i32
          %dma_start3A_140 = tpu.memref_slice %arg9[%sub3A_117, %run_scoped3A_122, %dma_start3A_139] : memref<2x2x800xi32, #tpu.memory_space<vmem>> -> memref<1x1x800xi32, #tpu.memory_space<vmem>>
          %dma_start3A_141 = tpu.memref_squeeze %dma_start3A_140 : memref<1x1x800xi32, #tpu.memory_space<vmem>> -> memref<800xi32, #tpu.memory_space<vmem>>
          %dma_start3A_142 = tpu.memref_slice %arg3[%mul3A_120] : memref<819200xi32, #tpu.memory_space<hbm>> -> memref<800xi32, #tpu.memory_space<hbm>>
          %dma_start3A_143 = arith.constant 0 : i32
          %dma_start3A_144 = tpu.memref_slice %arg9[%sub3A_117, %run_scoped3A_122, %dma_start3A_143] : memref<2x2x800xi32, #tpu.memory_space<vmem>> -> memref<1x1x800xi32, #tpu.memory_space<vmem>>
          %dma_start3A_145 = tpu.memref_squeeze %dma_start3A_144 : memref<1x1x800xi32, #tpu.memory_space<vmem>> -> memref<800xi32, #tpu.memory_space<vmem>>
          %dma_start3A_146 = tpu.memref_slice %arg3[%mul3A_120] : memref<819200xi32, #tpu.memory_space<hbm>> -> memref<800xi32, #tpu.memory_space<hbm>>
          tpu.enqueue_dma source(%dma_start3A_146 : memref<800xi32, #tpu.memory_space<hbm>>) target(%dma_start3A_145 : memref<800xi32, #tpu.memory_space<vmem>>) target_semaphore(%run_scoped3A_138 : memref<!tpu.dma_semaphore, #tpu.memory_space<semaphore_mem>>)
          %dma_wait3A_147 = arith.constant 0 : i32
          %dma_wait3A_148 = tpu.memref_slice %arg9[%sub3A_117, %run_scoped3A_122, %dma_wait3A_147] : memref<2x2x800xi32, #tpu.memory_space<vmem>> -> memref<1x1x800xi32, #tpu.memory_space<vmem>>
          %dma_wait3A_149 = tpu.memref_squeeze %dma_wait3A_148 : memref<1x1x800xi32, #tpu.memory_space<vmem>> -> memref<800xi32, #tpu.memory_space<vmem>>
          %dma_wait3A_150 = tpu.memref_slice %arg3[%mul3A_120] : memref<819200xi32, #tpu.memory_space<hbm>> -> memref<800xi32, #tpu.memory_space<hbm>>
          %dma_wait3A_151 = arith.constant 0 : i32
          %dma_wait3A_152 = tpu.memref_slice %arg9[%sub3A_117, %run_scoped3A_122, %dma_wait3A_151] : memref<2x2x800xi32, #tpu.memory_space<vmem>> -> memref<1x1x800xi32, #tpu.memory_space<vmem>>
          %dma_wait3A_153 = tpu.memref_squeeze %dma_wait3A_152 : memref<1x1x800xi32, #tpu.memory_space<vmem>> -> memref<800xi32, #tpu.memory_space<vmem>>
          %dma_wait3A_154 = tpu.memref_slice %arg3[%mul3A_120] : memref<819200xi32, #tpu.memory_space<hbm>> -> memref<800xi32, #tpu.memory_space<hbm>>
          tpu.wait_dma2 semaphore(%run_scoped3A_138 : memref<!tpu.dma_semaphore, #tpu.memory_space<semaphore_mem>>) src(%dma_wait3A_154 : memref<800xi32, #tpu.memory_space<hbm>>) dst(%dma_wait3A_153 : memref<800xi32, #tpu.memory_space<vmem>>)
          tpu.yield
        }) : () -> ()
        %dma_start3A_123 = arith.constant 1 : i32
        %dma_start3A_124 = arith.constant 0 : i32
        %dma_start3A_125 = arith.constant 0 : i32
        %dma_start3A_126 = tpu.memref_slice %arg13[%sub3A_117, %dma_start3A_124, %dma_start3A_125] : memref<2x800x32xbf16, #tpu.memory_space<vmem>> -> memref<1x800x32xbf16, #tpu.memory_space<vmem>>
        %dma_start3A_127 = tpu.memref_squeeze %dma_start3A_126 : memref<1x800x32xbf16, #tpu.memory_space<vmem>> -> memref<800x32xbf16, #tpu.memory_space<vmem>>
        %dma_start3A_128 = arith.constant 0 : i32
        %dma_start3A_129 = tpu.memref_slice %arg9[%sub3A_117, %dma_start3A_123, %dma_start3A_128] : memref<2x2x800xi32, #tpu.memory_space<vmem>> -> memref<1x1x800xi32, #tpu.memory_space<vmem>>
        %dma_start3A_130 = tpu.memref_squeeze %dma_start3A_129 : memref<1x1x800xi32, #tpu.memory_space<vmem>> -> memref<800xi32, #tpu.memory_space<vmem>>
        %dma_start3A_131 = arith.constant 0 : i32
        %dma_start3A_132 = arith.constant 0 : i32
        %dma_start3A_133 = tpu.memref_slice %arg6[%arg0, %dma_start3A_131, %dma_start3A_132] : memref<2x50176x32xbf16, #tpu.memory_space<hbm>> -> memref<1x50176x32xbf16, #tpu.memory_space<hbm>>
        %dma_start3A_134 = tpu.memref_squeeze %dma_start3A_133 : memref<1x50176x32xbf16, #tpu.memory_space<hbm>> -> memref<50176x32xbf16, #tpu.memory_space<hbm>>
        %dma_start3A_135 = arith.constant 0 : i32
        %dma_start3A_136 = arith.constant 0 : i32
        %dma_start3A_137 = tpu.memref_slice %dma_start3A_134[%dma_start3A_135, %dma_start3A_136] : memref<50176x32xbf16, #tpu.memory_space<hbm>> -> memref<50176x32xbf16, #tpu.memory_space<hbm>>
        tpu.enqueue_indirect_dma source(%dma_start3A_137 : memref<50176x32xbf16, #tpu.memory_space<hbm>>) target(%dma_start3A_127 : memref<800x32xbf16, #tpu.memory_space<vmem>>) offsets(%dma_start3A_130 : memref<800xi32, #tpu.memory_space<vmem>>) semaphore(%arg15 : memref<!tpu.dma_semaphore, #tpu.memory_space<semaphore_mem>>)
      } else {
      }
      %add3A_69 = arith.addi %mul3A_25, %scan3A_62 : i32
      %mul3A_70 = arith.constant 800 : i32
      %mul3A_71 = arith.muli %add3A_69, %mul3A_70 : i32
      %lt3A_72 = arith.constant 400000 : i32
      %lt3A_73 = arith.cmpi slt, %mul3A_71, %lt3A_72 : i32
      %add3A_74 = arith.constant 400000 : i32
      %add3A_75 = arith.addi %mul3A_71, %add3A_74 : i32
      %sub3A = arith.constant 400000 : i32
      %sub3A_76 = arith.subi %mul3A_71, %sub3A : i32
      %select_n3A = arith.select %lt3A_73, %add3A_75, %sub3A_76 : i32
      "tpu.region"() ({
        %run_scoped3A_114 = tpu.sem_alloc : memref<!tpu.dma_semaphore, #tpu.memory_space<semaphore_mem>>
        %dma_start3A_115 = tpu.memref_slice %arg4[%mul3A_71] : memref<819200xf32, #tpu.memory_space<hbm>> -> memref<800xf32, #tpu.memory_space<hbm>>
        %dma_start3A_116 = tpu.memref_slice %arg4[%mul3A_71] : memref<819200xf32, #tpu.memory_space<hbm>> -> memref<800xf32, #tpu.memory_space<hbm>>
        tpu.enqueue_dma source(%dma_start3A_116 : memref<800xf32, #tpu.memory_space<hbm>>) target(%arg10 : memref<800xf32, #tpu.memory_space<vmem>>) target_semaphore(%run_scoped3A_114 : memref<!tpu.dma_semaphore, #tpu.memory_space<semaphore_mem>>)
        %dma_wait3A_117 = tpu.memref_slice %arg4[%mul3A_71] : memref<819200xf32, #tpu.memory_space<hbm>> -> memref<800xf32, #tpu.memory_space<hbm>>
        %dma_wait3A_118 = tpu.memref_slice %arg4[%mul3A_71] : memref<819200xf32, #tpu.memory_space<hbm>> -> memref<800xf32, #tpu.memory_space<hbm>>
        tpu.wait_dma2 semaphore(%run_scoped3A_114 : memref<!tpu.dma_semaphore, #tpu.memory_space<semaphore_mem>>) src(%dma_wait3A_118 : memref<800xf32, #tpu.memory_space<hbm>>) dst(%arg10 : memref<800xf32, #tpu.memory_space<vmem>>)
        tpu.yield
      }) : () -> ()
      "tpu.region"() ({
        %run_scoped3A_114 = tpu.sem_alloc : memref<!tpu.dma_semaphore, #tpu.memory_space<semaphore_mem>>
        %dma_start3A_115 = tpu.memref_slice %arg4[%select_n3A] : memref<819200xf32, #tpu.memory_space<hbm>> -> memref<800xf32, #tpu.memory_space<hbm>>
        %dma_start3A_116 = tpu.memref_slice %arg4[%select_n3A] : memref<819200xf32, #tpu.memory_space<hbm>> -> memref<800xf32, #tpu.memory_space<hbm>>
        tpu.enqueue_dma source(%dma_start3A_116 : memref<800xf32, #tpu.memory_space<hbm>>) target(%arg11 : memref<800xf32, #tpu.memory_space<vmem>>) target_semaphore(%run_scoped3A_114 : memref<!tpu.dma_semaphore, #tpu.memory_space<semaphore_mem>>)
        %dma_wait3A_117 = tpu.memref_slice %arg4[%select_n3A] : memref<819200xf32, #tpu.memory_space<hbm>> -> memref<800xf32, #tpu.memory_space<hbm>>
        %dma_wait3A_118 = tpu.memref_slice %arg4[%select_n3A] : memref<819200xf32, #tpu.memory_space<hbm>> -> memref<800xf32, #tpu.memory_space<hbm>>
        tpu.wait_dma2 semaphore(%run_scoped3A_114 : memref<!tpu.dma_semaphore, #tpu.memory_space<semaphore_mem>>) src(%dma_wait3A_118 : memref<800xf32, #tpu.memory_space<hbm>>) dst(%arg11 : memref<800xf32, #tpu.memory_space<vmem>>)
        tpu.yield
      }) : () -> ()
      %scan3A_77 = arith.constant 0 : i32
      %scan3A_78 = arith.constant 0 : i32
      %scan3A_79 = arith.constant 50 : i32
      %scan3A_80 = arith.addi %scan3A_78, %scan3A_79 : i32
      %scan3A_81 = arith.constant 1 : i32
      %scan3A_82 = scf.for %scan3A_114 = %scan3A_78 to %scan3A_80 step %scan3A_81 iter_args(%scan3A_115 = %scan3A_77) -> (i32)  : i32 {
        %mul3A_116 = arith.constant 16 : i32
        %mul3A_117 = arith.muli %scan3A_114, %mul3A_116 : i32
        %get3A = arith.index_cast %mul3A_117 : i32 to index
        %get3A_118 = tpu.vector_load %arg10[%get3A] {strides = array<i32>} : memref<800xf32, #tpu.memory_space<vmem>>, vector<16xf32>,
        %get3A_119 = arith.index_cast %mul3A_117 : i32 to index
        %get3A_120 = tpu.vector_load %arg11[%get3A_119] {strides = array<i32>} : memref<800xf32, #tpu.memory_space<vmem>>, vector<16xf32>,
        %get3A_121 = arith.constant 0 : i32
        %get3A_122 = arith.index_cast %and3A_64 : i32 to index
        %get3A_123 = arith.index_cast %get3A_121 : i32 to index
        %get3A_124 = arith.index_cast %mul3A_117 : i32 to index
        %get3A_125 = tpu.vector_load %arg9[%get3A_122, %get3A_123, %get3A_124] {strides = array<i32>} : memref<2x2x800xi32, #tpu.memory_space<vmem>>, vector<16xi32>,
        %get3A_126 = arith.constant 1 : i32
        %get3A_127 = arith.index_cast %and3A_64 : i32 to index
        %get3A_128 = arith.index_cast %get3A_126 : i32 to index
        %get3A_129 = arith.index_cast %mul3A_117 : i32 to index
        %get3A_130 = tpu.vector_load %arg9[%get3A_127, %get3A_128, %get3A_129] {strides = array<i32>} : memref<2x2x800xi32, #tpu.memory_space<vmem>>, vector<16xi32>,
        %shift_right_arithmetic3A = arith.constant 1 : i32
        %shift_right_arithmetic3A_131 = vector.broadcast %shift_right_arithmetic3A : i32 to vector<16xi32>
        %shift_right_arithmetic3A_132 = arith.shrsi %get3A_125, %shift_right_arithmetic3A_131 : vector<16xi32>
        %gather3A = tpu.vector_load_idx %arg8[%shift_right_arithmetic3A_132] : memref<25088xi32, #tpu.memory_space<vmem>>[vector<16xi32>], vector<16xi32>,
        %and3A_133 = arith.constant 1 : i32
        %and3A_134 = vector.broadcast %and3A_133 : i32 to vector<16xi32>
        %and3A_135 = arith.andi %get3A_125, %and3A_134 : vector<16xi32>
        %eq3A = arith.constant 1 : i32
        %eq3A_136 = vector.broadcast %eq3A : i32 to vector<16xi32>
        %eq3A_137 = arith.cmpi eq, %and3A_135, %eq3A_136 : vector<16xi32>
        %shift_right_logical3A = arith.constant 16 : i32
        %shift_right_logical3A_138 = vector.broadcast %shift_right_logical3A : i32 to vector<16xi32>
        %shift_right_logical3A_139 = arith.shrui %gather3A, %shift_right_logical3A_138 : vector<16xi32>
        %and3A_140 = arith.constant 65535 : i32
        %and3A_141 = vector.broadcast %and3A_140 : i32 to vector<16xi32>
        %and3A_142 = arith.andi %gather3A, %and3A_141 : vector<16xi32>
        %select_n3A_143 = arith.select %eq3A_137, %shift_right_logical3A_139, %and3A_142 : vector<16xi1>, vector<16xi32>
        %shift_left3A = arith.constant 16 : i32
        %shift_left3A_144 = vector.broadcast %shift_left3A : i32 to vector<16xi32>
        %shift_left3A_145 = arith.shli %select_n3A_143, %shift_left3A_144 : vector<16xi32>
        %bitcast3A = vector.bitcast %shift_left3A_145 : vector<16xi32> to vector<16xf32>
        %shift_right_arithmetic3A_146 = arith.constant 1 : i32
        %shift_right_arithmetic3A_147 = vector.broadcast %shift_right_arithmetic3A_146 : i32 to vector<16xi32>
        %shift_right_arithmetic3A_148 = arith.shrsi %get3A_130, %shift_right_arithmetic3A_147 : vector<16xi32>
        %gather3A_149 = tpu.vector_load_idx %arg8[%shift_right_arithmetic3A_148] : memref<25088xi32, #tpu.memory_space<vmem>>[vector<16xi32>], vector<16xi32>,
        %and3A_150 = arith.constant 1 : i32
        %and3A_151 = vector.broadcast %and3A_150 : i32 to vector<16xi32>
        %and3A_152 = arith.andi %get3A_130, %and3A_151 : vector<16xi32>
        %eq3A_153 = arith.constant 1 : i32
        %eq3A_154 = vector.broadcast %eq3A_153 : i32 to vector<16xi32>
        %eq3A_155 = arith.cmpi eq, %and3A_152, %eq3A_154 : vector<16xi32>
        %shift_right_logical3A_156 = arith.constant 16 : i32
        %shift_right_logical3A_157 = vector.broadcast %shift_right_logical3A_156 : i32 to vector<16xi32>
        %shift_right_logical3A_158 = arith.shrui %gather3A_149, %shift_right_logical3A_157 : vector<16xi32>
        %and3A_159 = arith.constant 65535 : i32
        %and3A_160 = vector.broadcast %and3A_159 : i32 to vector<16xi32>
        %and3A_161 = arith.andi %gather3A_149, %and3A_160 : vector<16xi32>
        %select_n3A_162 = arith.select %eq3A_155, %shift_right_logical3A_158, %and3A_161 : vector<16xi1>, vector<16xi32>
        %shift_left3A_163 = arith.constant 16 : i32
        %shift_left3A_164 = vector.broadcast %shift_left3A_163 : i32 to vector<16xi32>
        %shift_left3A_165 = arith.shli %select_n3A_162, %shift_left3A_164 : vector<16xi32>
        %bitcast3A_166 = vector.bitcast %shift_left3A_165 : vector<16xi32> to vector<16xf32>
        %mul3A_167 = arith.mulf %get3A_118, %get3A_120 : vector<16xf32>
        %neg3A = arith.constant 0.000000e+00 : f32
        %neg3A_168 = vector.broadcast %neg3A : f32 to vector<16xf32>
        %neg3A_169 = arith.subf %neg3A_168, %mul3A_167 : vector<16xf32>
        %mul3A_170 = arith.mulf %neg3A_169, %bitcast3A : vector<16xf32>
        %mul3A_171 = arith.mulf %mul3A_170, %bitcast3A_166 : vector<16xf32>
        %swap3A = arith.index_cast %mul3A_117 : i32 to index
        %swap3A_172 = tpu.vector_load %arg12[%swap3A] {strides = array<i32>} : memref<800xf32, #tpu.memory_space<vmem>>, vector<16xf32>,
        tpu.vector_store %arg12[%swap3A], %mul3A_171 {strides = array<i32>} : memref<800xf32, #tpu.memory_space<vmem>>, vector<16xf32>,
        %scan3A_173 = arith.constant 0 : i32
        scf.yield %scan3A_173 : i32
      }
      %scan3A_83 = arith.constant 50 : i32
      %dma_wait3A = arith.constant 0 : i32
      %dma_wait3A_84 = arith.constant 0 : i32
      %dma_wait3A_85 = tpu.memref_slice %arg13[%and3A_64, %dma_wait3A, %dma_wait3A_84] : memref<2x800x32xbf16, #tpu.memory_space<vmem>> -> memref<1x800x32xbf16, #tpu.memory_space<vmem>>
      %dma_wait3A_86 = tpu.memref_squeeze %dma_wait3A_85 : memref<1x800x32xbf16, #tpu.memory_space<vmem>> -> memref<800x32xbf16, #tpu.memory_space<vmem>>
      %dma_wait3A_87 = arith.constant 0 : i32
      %dma_wait3A_88 = arith.constant 0 : i32
      %dma_wait3A_89 = tpu.memref_slice %arg6[%arg0, %dma_wait3A_87, %dma_wait3A_88] : memref<2x50176x32xbf16, #tpu.memory_space<hbm>> -> memref<1x50176x32xbf16, #tpu.memory_space<hbm>>
      %dma_wait3A_90 = tpu.memref_squeeze %dma_wait3A_89 : memref<1x50176x32xbf16, #tpu.memory_space<hbm>> -> memref<50176x32xbf16, #tpu.memory_space<hbm>>
      %dma_wait3A_91 = arith.constant 0 : i32
      %dma_wait3A_92 = arith.constant 0 : i32
      %dma_wait3A_93 = tpu.memref_slice %dma_wait3A_90[%dma_wait3A_91, %dma_wait3A_92] : memref<50176x32xbf16, #tpu.memory_space<hbm>> -> memref<800x32xbf16, #tpu.memory_space<hbm>>
      %dma_wait3A_94 = arith.constant 0 : i32
      %dma_wait3A_95 = arith.constant 0 : i32
      %dma_wait3A_96 = tpu.memref_slice %arg13[%and3A_64, %dma_wait3A_94, %dma_wait3A_95] : memref<2x800x32xbf16, #tpu.memory_space<vmem>> -> memref<1x800x32xbf16, #tpu.memory_space<vmem>>
      %dma_wait3A_97 = tpu.memref_squeeze %dma_wait3A_96 : memref<1x800x32xbf16, #tpu.memory_space<vmem>> -> memref<800x32xbf16, #tpu.memory_space<vmem>>
      %dma_wait3A_98 = arith.constant 0 : i32
      %dma_wait3A_99 = arith.constant 0 : i32
      %dma_wait3A_100 = tpu.memref_slice %arg6[%arg0, %dma_wait3A_98, %dma_wait3A_99] : memref<2x50176x32xbf16, #tpu.memory_space<hbm>> -> memref<1x50176x32xbf16, #tpu.memory_space<hbm>>
      %dma_wait3A_101 = tpu.memref_squeeze %dma_wait3A_100 : memref<1x50176x32xbf16, #tpu.memory_space<hbm>> -> memref<50176x32xbf16, #tpu.memory_space<hbm>>
      %dma_wait3A_102 = arith.constant 0 : i32
      %dma_wait3A_103 = arith.constant 0 : i32
      %dma_wait3A_104 = tpu.memref_slice %dma_wait3A_101[%dma_wait3A_102, %dma_wait3A_103] : memref<50176x32xbf16, #tpu.memory_space<hbm>> -> memref<800x32xbf16, #tpu.memory_space<hbm>>
      tpu.wait_dma2 semaphore(%arg15 : memref<!tpu.dma_semaphore, #tpu.memory_space<semaphore_mem>>) src(%dma_wait3A_104 : memref<800x32xbf16, #tpu.memory_space<hbm>>) dst(%dma_wait3A_97 : memref<800x32xbf16, #tpu.memory_space<vmem>>)
      %scan3A_105 = arith.constant 0 : i32
      %scan3A_106 = arith.constant 0 : i32
      %scan3A_107 = arith.constant 200 : i32
      %scan3A_108 = arith.addi %scan3A_106, %scan3A_107 : i32
      %scan3A_109 = arith.constant 1 : i32
      %scan3A_110 = scf.for %scan3A_114 = %scan3A_106 to %scan3A_108 step %scan3A_109 iter_args(%scan3A_115 = %scan3A_105) -> (i32)  : i32 {
        %mul3A_116 = arith.constant 4 : i32
        %mul3A_117 = arith.muli %scan3A_114, %mul3A_116 : i32
        %add3A_118 = arith.constant 0 : i32
        %add3A_119 = arith.addi %mul3A_117, %add3A_118 : i32
        %broadcast_in_dim3A_120 = vector.broadcast %add3A_119 : i32 to vector<16xi32>
        %gather3A = tpu.vector_load_idx %arg12[%broadcast_in_dim3A_120] : memref<800xf32, #tpu.memory_space<vmem>>[vector<16xi32>], vector<16xf32>,
        %pack3A = tpu.pack_subelements %gather3A, %gather3A {pack_format = #tpu.pack_format<interleaved>, positions = array<i32: 0, 1>} : vector<16xf32>, vector<16xf32> -> vector<32xbf16>
        %get3A = arith.index_cast %and3A_64 : i32 to index
        %get3A_121 = arith.index_cast %add3A_119 : i32 to index
        %get3A_122 = arith.constant 0 : index
        %get3A_123 = tpu.vector_load %arg13[%get3A, %get3A_121, %get3A_122] {strides = array<i32>} : memref<2x800x32xbf16, #tpu.memory_space<vmem>>, vector<32xbf16>,
        %mul3A_124 = arith.mulf %get3A_123, %pack3A : vector<32xbf16>
        %swap3A = arith.index_cast %and3A_64 : i32 to index
        %swap3A_125 = arith.index_cast %add3A_119 : i32 to index
        %swap3A_126 = arith.constant 0 : index
        %swap3A_127 = tpu.vector_load %arg13[%swap3A, %swap3A_125, %swap3A_126] {strides = array<i32>} : memref<2x800x32xbf16, #tpu.memory_space<vmem>>, vector<32xbf16>,
        tpu.vector_store %arg13[%swap3A, %swap3A_125, %swap3A_126], %mul3A_124 {strides = array<i32>} : memref<2x800x32xbf16, #tpu.memory_space<vmem>>, vector<32xbf16>,
        %mul3A_128 = arith.constant 4 : i32
        %mul3A_129 = arith.muli %scan3A_114, %mul3A_128 : i32
        %add3A_130 = arith.constant 1 : i32
        %add3A_131 = arith.addi %mul3A_129, %add3A_130 : i32
        %broadcast_in_dim3A_132 = vector.broadcast %add3A_131 : i32 to vector<16xi32>
        %gather3A_133 = tpu.vector_load_idx %arg12[%broadcast_in_dim3A_132] : memref<800xf32, #tpu.memory_space<vmem>>[vector<16xi32>], vector<16xf32>,
        %pack3A_134 = tpu.pack_subelements %gather3A_133, %gather3A_133 {pack_format = #tpu.pack_format<interleaved>, positions = array<i32: 0, 1>} : vector<16xf32>, vector<16xf32> -> vector<32xbf16>
        %get3A_135 = arith.index_cast %and3A_64 : i32 to index
        %get3A_136 = arith.index_cast %add3A_131 : i32 to index
        %get3A_137 = arith.constant 0 : index
        %get3A_138 = tpu.vector_load %arg13[%get3A_135, %get3A_136, %get3A_137] {strides = array<i32>} : memref<2x800x32xbf16, #tpu.memory_space<vmem>>, vector<32xbf16>,
        %mul3A_139 = arith.mulf %get3A_138, %pack3A_134 : vector<32xbf16>
        %swap3A_140 = arith.index_cast %and3A_64 : i32 to index
        %swap3A_141 = arith.index_cast %add3A_131 : i32 to index
        %swap3A_142 = arith.constant 0 : index
        %swap3A_143 = tpu.vector_load %arg13[%swap3A_140, %swap3A_141, %swap3A_142] {strides = array<i32>} : memref<2x800x32xbf16, #tpu.memory_space<vmem>>, vector<32xbf16>,
        tpu.vector_store %arg13[%swap3A_140, %swap3A_141, %swap3A_142], %mul3A_139 {strides = array<i32>} : memref<2x800x32xbf16, #tpu.memory_space<vmem>>, vector<32xbf16>,
        %mul3A_144 = arith.constant 4 : i32
        %mul3A_145 = arith.muli %scan3A_114, %mul3A_144 : i32
        %add3A_146 = arith.constant 2 : i32
        %add3A_147 = arith.addi %mul3A_145, %add3A_146 : i32
        %broadcast_in_dim3A_148 = vector.broadcast %add3A_147 : i32 to vector<16xi32>
        %gather3A_149 = tpu.vector_load_idx %arg12[%broadcast_in_dim3A_148] : memref<800xf32, #tpu.memory_space<vmem>>[vector<16xi32>], vector<16xf32>,
        %pack3A_150 = tpu.pack_subelements %gather3A_149, %gather3A_149 {pack_format = #tpu.pack_format<interleaved>, positions = array<i32: 0, 1>} : vector<16xf32>, vector<16xf32> -> vector<32xbf16>
        %get3A_151 = arith.index_cast %and3A_64 : i32 to index
        %get3A_152 = arith.index_cast %add3A_147 : i32 to index
        %get3A_153 = arith.constant 0 : index
        %get3A_154 = tpu.vector_load %arg13[%get3A_151, %get3A_152, %get3A_153] {strides = array<i32>} : memref<2x800x32xbf16, #tpu.memory_space<vmem>>, vector<32xbf16>,
        %mul3A_155 = arith.mulf %get3A_154, %pack3A_150 : vector<32xbf16>
        %swap3A_156 = arith.index_cast %and3A_64 : i32 to index
        %swap3A_157 = arith.index_cast %add3A_147 : i32 to index
        %swap3A_158 = arith.constant 0 : index
        %swap3A_159 = tpu.vector_load %arg13[%swap3A_156, %swap3A_157, %swap3A_158] {strides = array<i32>} : memref<2x800x32xbf16, #tpu.memory_space<vmem>>, vector<32xbf16>,
        tpu.vector_store %arg13[%swap3A_156, %swap3A_157, %swap3A_158], %mul3A_155 {strides = array<i32>} : memref<2x800x32xbf16, #tpu.memory_space<vmem>>, vector<32xbf16>,
        %mul3A_160 = arith.constant 4 : i32
        %mul3A_161 = arith.muli %scan3A_114, %mul3A_160 : i32
        %add3A_162 = arith.constant 3 : i32
        %add3A_163 = arith.addi %mul3A_161, %add3A_162 : i32
        %broadcast_in_dim3A_164 = vector.broadcast %add3A_163 : i32 to vector<16xi32>
        %gather3A_165 = tpu.vector_load_idx %arg12[%broadcast_in_dim3A_164] : memref<800xf32, #tpu.memory_space<vmem>>[vector<16xi32>], vector<16xf32>,
        %pack3A_166 = tpu.pack_subelements %gather3A_165, %gather3A_165 {pack_format = #tpu.pack_format<interleaved>, positions = array<i32: 0, 1>} : vector<16xf32>, vector<16xf32> -> vector<32xbf16>
        %get3A_167 = arith.index_cast %and3A_64 : i32 to index
        %get3A_168 = arith.index_cast %add3A_163 : i32 to index
        %get3A_169 = arith.constant 0 : index
        %get3A_170 = tpu.vector_load %arg13[%get3A_167, %get3A_168, %get3A_169] {strides = array<i32>} : memref<2x800x32xbf16, #tpu.memory_space<vmem>>, vector<32xbf16>,
        %mul3A_171 = arith.mulf %get3A_170, %pack3A_166 : vector<32xbf16>
        %swap3A_172 = arith.index_cast %and3A_64 : i32 to index
        %swap3A_173 = arith.index_cast %add3A_163 : i32 to index
        %swap3A_174 = arith.constant 0 : index
        %swap3A_175 = tpu.vector_load %arg13[%swap3A_172, %swap3A_173, %swap3A_174] {strides = array<i32>} : memref<2x800x32xbf16, #tpu.memory_space<vmem>>, vector<32xbf16>,
        tpu.vector_store %arg13[%swap3A_172, %swap3A_173, %swap3A_174], %mul3A_171 {strides = array<i32>} : memref<2x800x32xbf16, #tpu.memory_space<vmem>>, vector<32xbf16>,
        %scan3A_176 = arith.constant 0 : i32
        scf.yield %scan3A_176 : i32
      }
      %scan3A_111 = arith.constant 200 : i32
      %run_scoped3A_112 = arith.constant 0 : i32
      "tpu.region"() ({
        %run_scoped3A_114 = tpu.sem_alloc : memref<!tpu.dma_semaphore, #tpu.memory_space<semaphore_mem>>
        %dma_start3A_115 = arith.constant 0 : i32
        %dma_start3A_116 = arith.constant 0 : i32
        %dma_start3A_117 = tpu.memref_slice %arg13[%and3A_64, %dma_start3A_115, %dma_start3A_116] : memref<2x800x32xbf16, #tpu.memory_space<vmem>> -> memref<1x800x32xbf16, #tpu.memory_space<vmem>>
        %dma_start3A_118 = tpu.memref_squeeze %dma_start3A_117 : memref<1x800x32xbf16, #tpu.memory_space<vmem>> -> memref<800x32xbf16, #tpu.memory_space<vmem>>
        %dma_start3A_119 = arith.constant 0 : i32
        %dma_start3A_120 = tpu.memref_slice %arg9[%and3A_64, %run_scoped3A_112, %dma_start3A_119] : memref<2x2x800xi32, #tpu.memory_space<vmem>> -> memref<1x1x800xi32, #tpu.memory_space<vmem>>
        %dma_start3A_121 = tpu.memref_squeeze %dma_start3A_120 : memref<1x1x800xi32, #tpu.memory_space<vmem>> -> memref<800xi32, #tpu.memory_space<vmem>>
        %dma_start3A_122 = arith.constant 0 : i32
        %dma_start3A_123 = arith.constant 0 : i32
        %dma_start3A_124 = tpu.memref_slice %arg14[%dma_start3A_122, %dma_start3A_123] : memref<50176x32xbf16, #tpu.memory_space<vmem_shared>> -> memref<50176x32xbf16, #tpu.memory_space<vmem_shared>>
        tpu.enqueue_indirect_dma source(%dma_start3A_118 : memref<800x32xbf16, #tpu.memory_space<vmem>>) target(%dma_start3A_124 : memref<50176x32xbf16, #tpu.memory_space<vmem_shared>>) offsets(%dma_start3A_121 : memref<800xi32, #tpu.memory_space<vmem>>) semaphore(%run_scoped3A_114 : memref<!tpu.dma_semaphore, #tpu.memory_space<semaphore_mem>>) {add = true}
        %dma_wait3A_125 = arith.constant 0 : i32
        %dma_wait3A_126 = arith.constant 0 : i32
        %dma_wait3A_127 = tpu.memref_slice %arg13[%and3A_64, %dma_wait3A_125, %dma_wait3A_126] : memref<2x800x32xbf16, #tpu.memory_space<vmem>> -> memref<1x800x32xbf16, #tpu.memory_space<vmem>>
        %dma_wait3A_128 = tpu.memref_squeeze %dma_wait3A_127 : memref<1x800x32xbf16, #tpu.memory_space<vmem>> -> memref<800x32xbf16, #tpu.memory_space<vmem>>
        %dma_wait3A_129 = arith.constant 0 : i32
        %dma_wait3A_130 = tpu.memref_slice %arg9[%and3A_64, %run_scoped3A_112, %dma_wait3A_129] : memref<2x2x800xi32, #tpu.memory_space<vmem>> -> memref<1x1x800xi32, #tpu.memory_space<vmem>>
        %dma_wait3A_131 = tpu.memref_squeeze %dma_wait3A_130 : memref<1x1x800xi32, #tpu.memory_space<vmem>> -> memref<800xi32, #tpu.memory_space<vmem>>
        %dma_wait3A_132 = arith.constant 0 : i32
        %dma_wait3A_133 = arith.constant 0 : i32
        %dma_wait3A_134 = tpu.memref_slice %arg14[%dma_wait3A_132, %dma_wait3A_133] : memref<50176x32xbf16, #tpu.memory_space<vmem_shared>> -> memref<50176x32xbf16, #tpu.memory_space<vmem_shared>>
        tpu.wait_indirect_dma semaphore(%run_scoped3A_114 : memref<!tpu.dma_semaphore, #tpu.memory_space<semaphore_mem>>) src(%dma_wait3A_128 : memref<800x32xbf16, #tpu.memory_space<vmem>>) dst(%dma_wait3A_134 : memref<50176x32xbf16, #tpu.memory_space<vmem_shared>>)
        tpu.yield
      }) : () -> ()
      %scan3A_113 = arith.constant 0 : i32
      scf.yield %scan3A_113 : i32
    }
    %scan3A_56 = arith.constant 64 : i32
    %barrier3A_57 = arith.constant 0 : index
    tpu.barrier barrier_id(%barrier3A_57)
    %mul3A_58 = arith.constant 3136 : i32
    %mul3A_59 = arith.muli %arg1, %mul3A_58 : i32
    %mul3A_60 = arith.constant 3136 : i32
    %mul3A_61 = arith.muli %arg1, %mul3A_60 : i32
    "tpu.region"() ({
      %run_scoped3A_62 = tpu.sem_alloc : memref<!tpu.dma_semaphore, #tpu.memory_space<semaphore_mem>>
      %dma_start3A_63 = arith.constant 0 : i32
      %dma_start3A_64 = tpu.memref_slice %arg7[%arg0, %mul3A_61, %dma_start3A_63] : memref<2x50176x32xbf16, #tpu.memory_space<hbm>> -> memref<1x3136x32xbf16, #tpu.memory_space<hbm>>
      %dma_start3A_65 = tpu.memref_squeeze %dma_start3A_64 : memref<1x3136x32xbf16, #tpu.memory_space<hbm>> -> memref<3136x32xbf16, #tpu.memory_space<hbm>>
      %dma_start3A_66 = arith.constant 0 : i32
      %dma_start3A_67 = tpu.memref_slice %arg14[%mul3A_59, %dma_start3A_66] : memref<50176x32xbf16, #tpu.memory_space<vmem_shared>> -> memref<3136x32xbf16, #tpu.memory_space<vmem_shared>>
      tpu.enqueue_dma source(%dma_start3A_67 : memref<3136x32xbf16, #tpu.memory_space<vmem_shared>>) target(%dma_start3A_65 : memref<3136x32xbf16, #tpu.memory_space<hbm>>) target_semaphore(%run_scoped3A_62 : memref<!tpu.dma_semaphore, #tpu.memory_space<semaphore_mem>>)
      %dma_wait3A = arith.constant 0 : i32
      %dma_wait3A_68 = tpu.memref_slice %arg7[%arg0, %mul3A_61, %dma_wait3A] : memref<2x50176x32xbf16, #tpu.memory_space<hbm>> -> memref<1x3136x32xbf16, #tpu.memory_space<hbm>>
      %dma_wait3A_69 = tpu.memref_squeeze %dma_wait3A_68 : memref<1x3136x32xbf16, #tpu.memory_space<hbm>> -> memref<3136x32xbf16, #tpu.memory_space<hbm>>
      %dma_wait3A_70 = arith.constant 0 : i32
      %dma_wait3A_71 = tpu.memref_slice %arg14[%mul3A_59, %dma_wait3A_70] : memref<50176x32xbf16, #tpu.memory_space<vmem_shared>> -> memref<3136x32xbf16, #tpu.memory_space<vmem_shared>>
      tpu.wait_dma2 semaphore(%run_scoped3A_62 : memref<!tpu.dma_semaphore, #tpu.memory_space<semaphore_mem>>) src(%dma_wait3A_71 : memref<3136x32xbf16, #tpu.memory_space<vmem_shared>>) dst(%dma_wait3A_69 : memref<3136x32xbf16, #tpu.memory_space<hbm>>)
      tpu.yield
    }) : () -> ()
    return
  }
}

module attributes {stable_mosaic.version = 14 : i64} {
  func.func @_dense_body(%arg0: i32, %arg1: memref<1024x64xf32, #tpu.memory_space<vmem>>, %arg2: memref<64x64xf32, #tpu.memory_space<vmem>>, %arg3: memref<1x64xf32, #tpu.memory_space<vmem>>, %arg4: memref<2x64xf32, #tpu.memory_space<vmem>>, %arg5: memref<2x1024x32xbf16, #tpu.memory_space<vmem>>, %arg6: memref<2x8x128xf32, #tpu.memory_space<vmem>>) attributes {dimension_semantics = [#tpu.dimension_semantics<arbitrary>], iteration_bounds = array<i64: 49>, scalar_prefetch = 0 : i64, scratch_operands = 0 : i64, tpu.core_type = #tpu.core_type<tc>, window_params = [{transform_indices = @transform_0, window_bounds = array<i64: 1024, 64>}, {pipeline_mode = #tpu.pipeline_mode<synchronous>, transform_indices = @transform_1, window_bounds = array<i64: 64, 64>}, {pipeline_mode = #tpu.pipeline_mode<synchronous>, transform_indices = @transform_2, window_bounds = array<i64: 1, 64>}, {pipeline_mode = #tpu.pipeline_mode<synchronous>, transform_indices = @transform_3, window_bounds = array<i64: 2, 64>}, {transform_indices = @transform_4, window_bounds = array<i64: 2, 1024, 32>}, {transform_indices = @transform_5, window_bounds = array<i64: 2, 8, 128>}]} {
    %get3A = arith.constant 0 : index
    %get3A_0 = arith.constant 0 : index
    %get3A_1 = vector.load %arg1[%get3A, %get3A_0] : memref<1024x64xf32, #tpu.memory_space<vmem>>, vector<1024x64xf32>
    %get3A_2 = arith.constant 0 : index
    %get3A_3 = arith.constant 0 : index
    %get3A_4 = vector.load %arg2[%get3A_2, %get3A_3] : memref<64x64xf32, #tpu.memory_space<vmem>>, vector<64x64xf32>
    %dot_general3A = arith.constant dense<0.000000e+00> : vector<1024x64xf32>
    %dot_general3A_5 = tpu.matmul %get3A_1, %get3A_4, %dot_general3A {dimension_numbers = #tpu.dot_dimension_numbers<[1], [0], [0], [1], [0, 0, 1, 1], [], []>, transpose_lhs_hint = false} : vector<1024x64xf32>, vector<64x64xf32>, vector<1024x64xf32> -> vector<1024x64xf32>
    %get3A_6 = arith.constant 0 : index
    %get3A_7 = arith.constant 0 : index
    %get3A_8 = vector.load %arg3[%get3A_6, %get3A_7] : memref<1x64xf32, #tpu.memory_space<vmem>>, vector<1x64xf32>
    %add3A = vector.broadcast %get3A_8 : vector<1x64xf32> to vector<1024x64xf32>
    %add3A_9 = arith.addf %dot_general3A_5, %add3A : vector<1024x64xf32>
    %convert_element_type3A = arith.truncf %add3A_9 : vector<1024x64xf32> to vector<1024x64xbf16>
    %slice3A = vector.extract_strided_slice %convert_element_type3A {offsets = [0, 0], sizes = [1024, 32], strides = [1, 1]} : vector<1024x64xbf16> to vector<1024x32xbf16>
    %swap3A = arith.constant 0 : index
    %swap3A_10 = arith.constant 0 : index
    %swap3A_11 = arith.constant 0 : index
    %swap3A_12 = vector.load %arg5[%swap3A, %swap3A_10, %swap3A_11] : memref<2x1024x32xbf16, #tpu.memory_space<vmem>>, vector<1x1024x32xbf16>
    %swap3A_13 = vector.shape_cast %swap3A_12 : vector<1x1024x32xbf16> to vector<1024x32xbf16>
    %swap3A_14 = vector.shape_cast %slice3A : vector<1024x32xbf16> to vector<1x1024x32xbf16>
    tpu.vector_store %arg5[%swap3A, %swap3A_10, %swap3A_11], %swap3A_14 {strides = array<i32>} : memref<2x1024x32xbf16, #tpu.memory_space<vmem>>, vector<1x1024x32xbf16>,
    %slice3A_15 = vector.extract_strided_slice %convert_element_type3A {offsets = [0, 32], sizes = [1024, 32], strides = [1, 1]} : vector<1024x64xbf16> to vector<1024x32xbf16>
    %swap3A_16 = arith.constant 1 : index
    %swap3A_17 = arith.constant 0 : index
    %swap3A_18 = arith.constant 0 : index
    %swap3A_19 = vector.load %arg5[%swap3A_16, %swap3A_17, %swap3A_18] : memref<2x1024x32xbf16, #tpu.memory_space<vmem>>, vector<1x1024x32xbf16>
    %swap3A_20 = vector.shape_cast %swap3A_19 : vector<1x1024x32xbf16> to vector<1024x32xbf16>
    %swap3A_21 = vector.shape_cast %slice3A_15 : vector<1024x32xbf16> to vector<1x1024x32xbf16>
    tpu.vector_store %arg5[%swap3A_16, %swap3A_17, %swap3A_18], %swap3A_21 {strides = array<i32>} : memref<2x1024x32xbf16, #tpu.memory_space<vmem>>, vector<1x1024x32xbf16>,
    %get3A_22 = arith.constant 0 : index
    %get3A_23 = arith.constant 0 : index
    %get3A_24 = vector.load %arg4[%get3A_22, %get3A_23] : memref<2x64xf32, #tpu.memory_space<vmem>>, vector<1x64xf32>
    %get3A_25 = vector.shape_cast %get3A_24 : vector<1x64xf32> to vector<64xf32>
    %dot_general3A_26 = arith.constant dense<0.000000e+00> : vector<1024xf32>
    %dot_general3A_27 = tpu.matmul %get3A_1, %get3A_25, %dot_general3A_26 {dimension_numbers = #tpu.dot_dimension_numbers<[1], [0], [0], [], [0, 0], [], []>, transpose_lhs_hint = false} : vector<1024x64xf32>, vector<64xf32>, vector<1024xf32> -> vector<1024xf32>
    %get3A_28 = arith.constant 1 : index
    %get3A_29 = arith.constant 0 : index
    %get3A_30 = vector.load %arg4[%get3A_28, %get3A_29] : memref<2x64xf32, #tpu.memory_space<vmem>>, vector<1x64xf32>
    %get3A_31 = vector.shape_cast %get3A_30 : vector<1x64xf32> to vector<64xf32>
    %dot_general3A_32 = arith.constant dense<0.000000e+00> : vector<1024xf32>
    %dot_general3A_33 = tpu.matmul %get3A_1, %get3A_31, %dot_general3A_32 {dimension_numbers = #tpu.dot_dimension_numbers<[1], [0], [0], [], [0, 0], [], []>, transpose_lhs_hint = false} : vector<1024x64xf32>, vector<64xf32>, vector<1024xf32> -> vector<1024xf32>
    %reshape3A = vector.shape_cast %dot_general3A_27 : vector<1024xf32> to vector<8x128xf32>
    %swap3A_34 = arith.constant 0 : index
    %swap3A_35 = arith.constant 0 : index
    %swap3A_36 = arith.constant 0 : index
    %swap3A_37 = vector.load %arg6[%swap3A_34, %swap3A_35, %swap3A_36] : memref<2x8x128xf32, #tpu.memory_space<vmem>>, vector<1x8x128xf32>
    %swap3A_38 = vector.shape_cast %swap3A_37 : vector<1x8x128xf32> to vector<8x128xf32>
    %swap3A_39 = vector.shape_cast %reshape3A : vector<8x128xf32> to vector<1x8x128xf32>
    tpu.vector_store %arg6[%swap3A_34, %swap3A_35, %swap3A_36], %swap3A_39 {strides = array<i32>} : memref<2x8x128xf32, #tpu.memory_space<vmem>>, vector<1x8x128xf32>,
    %reshape3A_40 = vector.shape_cast %dot_general3A_33 : vector<1024xf32> to vector<8x128xf32>
    %swap3A_41 = arith.constant 1 : index
    %swap3A_42 = arith.constant 0 : index
    %swap3A_43 = arith.constant 0 : index
    %swap3A_44 = vector.load %arg6[%swap3A_41, %swap3A_42, %swap3A_43] : memref<2x8x128xf32, #tpu.memory_space<vmem>>, vector<1x8x128xf32>
    %swap3A_45 = vector.shape_cast %swap3A_44 : vector<1x8x128xf32> to vector<8x128xf32>
    %swap3A_46 = vector.shape_cast %reshape3A_40 : vector<8x128xf32> to vector<1x8x128xf32>
    tpu.vector_store %arg6[%swap3A_41, %swap3A_42, %swap3A_43], %swap3A_46 {strides = array<i32>} : memref<2x8x128xf32, #tpu.memory_space<vmem>>, vector<1x8x128xf32>,
    return
  }
  func.func @transform_0(%arg0: i32) -> (i32, i32) {
    %c0_i32 = arith.constant 0 : i32
    %c0_i32_0 = arith.constant 0 : i32
    return %arg0, %c0_i32 : i32, i32
  }
  func.func @transform_1(%arg0: i32) -> (i32, i32) {
    %c0_i32 = arith.constant 0 : i32
    %c0_i32_0 = arith.constant 0 : i32
    %c0_i32_1 = arith.constant 0 : i32
    return %c0_i32, %c0_i32_0 : i32, i32
  }
  func.func @transform_2(%arg0: i32) -> (i32, i32) {
    %c0_i32 = arith.constant 0 : i32
    %c0_i32_0 = arith.constant 0 : i32
    %c0_i32_1 = arith.constant 0 : i32
    return %c0_i32, %c0_i32_0 : i32, i32
  }
  func.func @transform_3(%arg0: i32) -> (i32, i32) {
    %c0_i32 = arith.constant 0 : i32
    %c0_i32_0 = arith.constant 0 : i32
    %c0_i32_1 = arith.constant 0 : i32
    return %c0_i32, %c0_i32_0 : i32, i32
  }
  func.func @transform_4(%arg0: i32) -> (i32, i32, i32) {
    %c0_i32 = arith.constant 0 : i32
    %c0_i32_0 = arith.constant 0 : i32
    %c0_i32_1 = arith.constant 0 : i32
    return %c0_i32, %arg0, %c0_i32_0 : i32, i32, i32
  }
  func.func @transform_5(%arg0: i32) -> (i32, i32, i32) {
    %c0_i32 = arith.constant 0 : i32
    %c0_i32_0 = arith.constant 0 : i32
    %c0_i32_1 = arith.constant 0 : i32
    return %c0_i32, %arg0, %c0_i32_0 : i32, i32, i32
  }
}

module attributes {stable_mosaic.version = 14 : i64} {
  func.func @_a2_body(%arg0: i32, %arg1: memref<1024x1xf32, #tpu.memory_space<vmem>>, %arg2: memref<1024x1xf32, #tpu.memory_space<vmem>>, %arg3: memref<2x1024x32xbf16, #tpu.memory_space<vmem>>, %arg4: memref<1024x1xf32, #tpu.memory_space<vmem>>, %arg5: memref<2x1024x32xbf16, #tpu.memory_space<vmem>>) attributes {dimension_semantics = [#tpu.dimension_semantics<arbitrary>], iteration_bounds = array<i64: 49>, scalar_prefetch = 0 : i64, scratch_operands = 0 : i64, tpu.core_type = #tpu.core_type<tc>, window_params = [{transform_indices = @transform_0, window_bounds = array<i64: 1024, 1>}, {transform_indices = @transform_1, window_bounds = array<i64: 1024, 1>}, {transform_indices = @transform_2, window_bounds = array<i64: 2, 1024, 32>}, {transform_indices = @transform_3, window_bounds = array<i64: 1024, 1>}, {transform_indices = @transform_4, window_bounds = array<i64: 2, 1024, 32>}]} {
    %get3A = arith.constant 0 : index
    %get3A_0 = arith.constant 0 : index
    %get3A_1 = vector.load %arg1[%get3A, %get3A_0] : memref<1024x1xf32, #tpu.memory_space<vmem>>, vector<1024x1xf32>
    %get3A_2 = arith.constant 0 : index
    %get3A_3 = arith.constant 0 : index
    %get3A_4 = vector.load %arg2[%get3A_2, %get3A_3] : memref<1024x1xf32, #tpu.memory_space<vmem>>, vector<1024x1xf32>
    %add3A = arith.addf %get3A_1, %get3A_4 : vector<1024x1xf32>
    %add3A_5 = arith.constant 1.000000e+00 : f32
    %add3A_6 = vector.broadcast %add3A_5 : f32 to vector<1024x1xf32>
    %add3A_7 = arith.addf %add3A, %add3A_6 : vector<1024x1xf32>
    %rsqrt3A = math.rsqrt %add3A_7 : vector<1024x1xf32>
    %swap3A = arith.constant 0 : index
    %swap3A_8 = arith.constant 0 : index
    %swap3A_9 = vector.load %arg4[%swap3A, %swap3A_8] : memref<1024x1xf32, #tpu.memory_space<vmem>>, vector<1024x1xf32>
    tpu.vector_store %arg4[%swap3A, %swap3A_8], %rsqrt3A {strides = array<i32>} : memref<1024x1xf32, #tpu.memory_space<vmem>>, vector<1024x1xf32>,
    %mul3A = arith.mulf %add3A, %rsqrt3A : vector<1024x1xf32>
    %mul3A_10 = arith.mulf %mul3A, %rsqrt3A : vector<1024x1xf32>
    %get3A_11 = arith.constant 0 : index
    %get3A_12 = arith.constant 0 : index
    %get3A_13 = arith.constant 0 : index
    %get3A_14 = vector.load %arg3[%get3A_11, %get3A_12, %get3A_13] : memref<2x1024x32xbf16, #tpu.memory_space<vmem>>, vector<1x1024x32xbf16>
    %get3A_15 = vector.shape_cast %get3A_14 : vector<1x1024x32xbf16> to vector<1024x32xbf16>
    %convert_element_type3A = arith.extf %get3A_15 : vector<1024x32xbf16> to vector<1024x32xf32>
    %mul3A_16 = vector.broadcast %mul3A_10 : vector<1024x1xf32> to vector<1024x32xf32>
    %mul3A_17 = arith.mulf %mul3A_16, %convert_element_type3A : vector<1024x32xf32>
    %convert_element_type3A_18 = arith.truncf %mul3A_17 : vector<1024x32xf32> to vector<1024x32xbf16>
    %swap3A_19 = arith.constant 0 : index
    %swap3A_20 = arith.constant 0 : index
    %swap3A_21 = arith.constant 0 : index
    %swap3A_22 = vector.load %arg5[%swap3A_19, %swap3A_20, %swap3A_21] : memref<2x1024x32xbf16, #tpu.memory_space<vmem>>, vector<1x1024x32xbf16>
    %swap3A_23 = vector.shape_cast %swap3A_22 : vector<1x1024x32xbf16> to vector<1024x32xbf16>
    %swap3A_24 = vector.shape_cast %convert_element_type3A_18 : vector<1024x32xbf16> to vector<1x1024x32xbf16>
    tpu.vector_store %arg5[%swap3A_19, %swap3A_20, %swap3A_21], %swap3A_24 {strides = array<i32>} : memref<2x1024x32xbf16, #tpu.memory_space<vmem>>, vector<1x1024x32xbf16>,
    %get3A_25 = arith.constant 1 : index
    %get3A_26 = arith.constant 0 : index
    %get3A_27 = arith.constant 0 : index
    %get3A_28 = vector.load %arg3[%get3A_25, %get3A_26, %get3A_27] : memref<2x1024x32xbf16, #tpu.memory_space<vmem>>, vector<1x1024x32xbf16>
    %get3A_29 = vector.shape_cast %get3A_28 : vector<1x1024x32xbf16> to vector<1024x32xbf16>
    %convert_element_type3A_30 = arith.extf %get3A_29 : vector<1024x32xbf16> to vector<1024x32xf32>
    %mul3A_31 = vector.broadcast %mul3A_10 : vector<1024x1xf32> to vector<1024x32xf32>
    %mul3A_32 = arith.mulf %mul3A_31, %convert_element_type3A_30 : vector<1024x32xf32>
    %convert_element_type3A_33 = arith.truncf %mul3A_32 : vector<1024x32xf32> to vector<1024x32xbf16>
    %swap3A_34 = arith.constant 1 : index
    %swap3A_35 = arith.constant 0 : index
    %swap3A_36 = arith.constant 0 : index
    %swap3A_37 = vector.load %arg5[%swap3A_34, %swap3A_35, %swap3A_36] : memref<2x1024x32xbf16, #tpu.memory_space<vmem>>, vector<1x1024x32xbf16>
    %swap3A_38 = vector.shape_cast %swap3A_37 : vector<1x1024x32xbf16> to vector<1024x32xbf16>
    %swap3A_39 = vector.shape_cast %convert_element_type3A_33 : vector<1024x32xbf16> to vector<1x1024x32xbf16>
    tpu.vector_store %arg5[%swap3A_34, %swap3A_35, %swap3A_36], %swap3A_39 {strides = array<i32>} : memref<2x1024x32xbf16, #tpu.memory_space<vmem>>, vector<1x1024x32xbf16>,
    return
  }
  func.func @transform_0(%arg0: i32) -> (i32, i32) {
    %c0_i32 = arith.constant 0 : i32
    %c0_i32_0 = arith.constant 0 : i32
    return %arg0, %c0_i32 : i32, i32
  }
  func.func @transform_1(%arg0: i32) -> (i32, i32) {
    %c0_i32 = arith.constant 0 : i32
    %c0_i32_0 = arith.constant 0 : i32
    return %arg0, %c0_i32 : i32, i32
  }
  func.func @transform_2(%arg0: i32) -> (i32, i32, i32) {
    %c0_i32 = arith.constant 0 : i32
    %c0_i32_0 = arith.constant 0 : i32
    %c0_i32_1 = arith.constant 0 : i32
    return %c0_i32, %arg0, %c0_i32_0 : i32, i32, i32
  }
  func.func @transform_3(%arg0: i32) -> (i32, i32) {
    %c0_i32 = arith.constant 0 : i32
    %c0_i32_0 = arith.constant 0 : i32
    return %arg0, %c0_i32 : i32, i32
  }
  func.func @transform_4(%arg0: i32) -> (i32, i32, i32) {
    %c0_i32 = arith.constant 0 : i32
    %c0_i32_0 = arith.constant 0 : i32
    %c0_i32_1 = arith.constant 0 : i32
    return %c0_i32, %arg0, %c0_i32_0 : i32, i32, i32
  }
}

module attributes {stable_mosaic.version = 14 : i64} {
  func.func @_comb_body(%arg0: i32, %arg1: memref<2000x64xf32, #tpu.memory_space<vmem>>, %arg2: memref<2x2000x32xbf16, #tpu.memory_space<vmem>>, %arg3: memref<2x2000x32xbf16, #tpu.memory_space<vmem>>, %arg4: memref<2000x64xf32, #tpu.memory_space<vmem>>) attributes {dimension_semantics = [#tpu.dimension_semantics<arbitrary>], iteration_bounds = array<i64: 25>, scalar_prefetch = 0 : i64, scratch_operands = 0 : i64, tpu.core_type = #tpu.core_type<tc>, window_params = [{transform_indices = @transform_0, window_bounds = array<i64: 2000, 64>}, {transform_indices = @transform_1, window_bounds = array<i64: 2, 2000, 32>}, {transform_indices = @transform_2, window_bounds = array<i64: 2, 2000, 32>}, {transform_indices = @transform_3, window_bounds = array<i64: 2000, 64>}]} {
    %get3A = arith.constant 0 : index
    %get3A_0 = arith.constant 0 : index
    %get3A_1 = arith.constant 0 : index
    %get3A_2 = vector.load %arg2[%get3A, %get3A_0, %get3A_1] : memref<2x2000x32xbf16, #tpu.memory_space<vmem>>, vector<1x2000x32xbf16>
    %get3A_3 = vector.shape_cast %get3A_2 : vector<1x2000x32xbf16> to vector<2000x32xbf16>
    %get3A_4 = arith.constant 1 : index
    %get3A_5 = arith.constant 0 : index
    %get3A_6 = arith.constant 0 : index
    %get3A_7 = vector.load %arg2[%get3A_4, %get3A_5, %get3A_6] : memref<2x2000x32xbf16, #tpu.memory_space<vmem>>, vector<1x2000x32xbf16>
    %get3A_8 = vector.shape_cast %get3A_7 : vector<1x2000x32xbf16> to vector<2000x32xbf16>
    %concatenate3A = tpu.concatenate %get3A_3, %get3A_8 in 1 : vector<2000x32xbf16>, vector<2000x32xbf16> -> vector<2000x64xbf16>
    %convert_element_type3A = arith.extf %concatenate3A : vector<2000x64xbf16> to vector<2000x64xf32>
    %get3A_9 = arith.constant 0 : index
    %get3A_10 = arith.constant 0 : index
    %get3A_11 = arith.constant 0 : index
    %get3A_12 = vector.load %arg3[%get3A_9, %get3A_10, %get3A_11] : memref<2x2000x32xbf16, #tpu.memory_space<vmem>>, vector<1x2000x32xbf16>
    %get3A_13 = vector.shape_cast %get3A_12 : vector<1x2000x32xbf16> to vector<2000x32xbf16>
    %get3A_14 = arith.constant 1 : index
    %get3A_15 = arith.constant 0 : index
    %get3A_16 = arith.constant 0 : index
    %get3A_17 = vector.load %arg3[%get3A_14, %get3A_15, %get3A_16] : memref<2x2000x32xbf16, #tpu.memory_space<vmem>>, vector<1x2000x32xbf16>
    %get3A_18 = vector.shape_cast %get3A_17 : vector<1x2000x32xbf16> to vector<2000x32xbf16>
    %concatenate3A_19 = tpu.concatenate %get3A_13, %get3A_18 in 1 : vector<2000x32xbf16>, vector<2000x32xbf16> -> vector<2000x64xbf16>
    %convert_element_type3A_20 = arith.extf %concatenate3A_19 : vector<2000x64xbf16> to vector<2000x64xf32>
    %get3A_21 = arith.constant 0 : index
    %get3A_22 = arith.constant 0 : index
    %get3A_23 = vector.load %arg1[%get3A_21, %get3A_22] : memref<2000x64xf32, #tpu.memory_space<vmem>>, vector<2000x64xf32>
    %add3A = arith.addf %convert_element_type3A, %convert_element_type3A_20 : vector<2000x64xf32>
    %mul3A = arith.constant 1.000000e-01 : f32
    %mul3A_24 = vector.broadcast %mul3A : f32 to vector<2000x64xf32>
    %mul3A_25 = arith.mulf %mul3A_24, %add3A : vector<2000x64xf32>
    %sub3A = arith.subf %get3A_23, %mul3A_25 : vector<2000x64xf32>
    %swap3A = arith.constant 0 : index
    %swap3A_26 = arith.constant 0 : index
    %swap3A_27 = vector.load %arg4[%swap3A, %swap3A_26] : memref<2000x64xf32, #tpu.memory_space<vmem>>, vector<2000x64xf32>
    tpu.vector_store %arg4[%swap3A, %swap3A_26], %sub3A {strides = array<i32>} : memref<2000x64xf32, #tpu.memory_space<vmem>>, vector<2000x64xf32>,
    return
  }
  func.func @transform_0(%arg0: i32) -> (i32, i32) {
    %c0_i32 = arith.constant 0 : i32
    %c0_i32_0 = arith.constant 0 : i32
    return %arg0, %c0_i32 : i32, i32
  }
  func.func @transform_1(%arg0: i32) -> (i32, i32, i32) {
    %c0_i32 = arith.constant 0 : i32
    %c0_i32_0 = arith.constant 0 : i32
    %c0_i32_1 = arith.constant 0 : i32
    return %c0_i32, %arg0, %c0_i32_0 : i32, i32, i32
  }
  func.func @transform_2(%arg0: i32) -> (i32, i32, i32) {
    %c0_i32 = arith.constant 0 : i32
    %c0_i32_0 = arith.constant 0 : i32
    %c0_i32_1 = arith.constant 0 : i32
    return %c0_i32, %arg0, %c0_i32_0 : i32, i32, i32
  }
  func.func @transform_3(%arg0: i32) -> (i32, i32) {
    %c0_i32 = arith.constant 0 : i32
    %c0_i32_0 = arith.constant 0 : i32
    return %arg0, %c0_i32 : i32, i32
  }
}

</mosaic_0001>

<sc_bundles>
// kernel: kernel.10.cloned.1.call-start
scs
__scs_entry_jumppad:
0x0: {  	(pc) =	sbr.rel $0x88, $3  }
0x1: {  	(tag) =	ssettag $0x0;
	lr =	simm.s32 $0x1  }
0x2: {  	[smem:$0x3F9C] =	sst lr;
	_ =	strace $0xD0000000  }
0x3: {  	_ = 	snop  }
0x4: {  	_ = 	snop  }
0x5: {  	_ = 	snop  }
0x6: {  	_ = 	snop  }
0x7: {  	_ = 	snop  }
__scs_overlays_trampoline_lowered:
0x8: {  	[smem:$0x3FAB] =	sst s0  }
0x9: {  	[smem:$0x3FAC] =	sst s1  }
0xa: {  	[smem:$0x3FAD] =	sst s2  }
0xb: {  	[smem:$0x3FAE] =	sst s3  }
0xc: {  	[smem:$0x3FAF] =	sst s4  }
0xd: {  	[smem:$0x3FB0] =	sst s5  }
0xe: {  	[smem:$0x3FB1] =	sst s6  }
0xf: {  	[smem:$0x3FB2] =	sst s7  }
0x10: {  	[smem:$0x3FB3] =	sst s8  }
0x11: {  	[smem:$0x3FB4] =	sst s9;
	s0 =	simm.s32 @!p0 $0x0  }
0x12: {  	s1 =	sld [smem:$0x3F9A];
	s0 =	simm.s32 @p0 $0x1  }
0x13: {  	[smem:$0x3FB5] =	sst s0;
	s0 =	simm.s32 @!p1 $0x0  }
0x14: {  	s2 =	sld [smem:$0x3F99];
	s0 =	simm.s32 @p1 $0x1  }
0x15: {  	[smem:$0x3FB6] =	sst s0;
	s0 =	simm.s32 @!p2 $0x0  }
0x16: {  	s3 =	sld [smem:$0x3FDB];
	s0 =	simm.s32 @p2 $0x1  }
0x17: {  	s4 =	simm.s32 $0x1BF5;
	[smem:$0x3FB8] =	sst s0  }
0x18: {  	s0 =	sld [smem:$0x3F9B];
	_ =	swait.ge [sflag:s4], $0x0  }
0x19: {  	s7 =	sld [smem:$0x3F9C]  }
0x1a: {  	s8 =	sadd.s32 $0xFFFFE003, lr  }
0x1b: {  	s9 =	sadd.s32 $0xFFFFFEF7, lr;
	s5 =	simm.s32 $0xFFFFFFFF;
	p2 =	slt.u32 s8, $0xFFFFF086  }
0x1c: {  	p1 =	slt.u32 s9, $0xF7A;
	s5 =	simm.s32 @!p2 $0x0  }
0x1d: {  	s5 =	simm.s32 @p1 $0x1;
	p0 =	seq.s32 s7, s2  }
0x1e: {  	s7 =	smul.u32 @!p0 $0xF7A, s2;
	p2 =	seq.s32 @!p0 s5, $0x0  }
0x1f: {  	s9 =	smul.u32 $0xF7A, s1;
	s8 =	simm.s32 @!p0 $0x1BF5;
	p2 =	por !p2, p0  }
0x20: {  	[sflag:s8] =	ssyncset.s32 @!p0 $0xFFFFF086;
	s6 =	sadd.s32 @!p0 s3, s7;
	s7 =	simm.s32 @!p0 $0x108  }
0x21: {  	s3 =	sadd.s32 s3, s9;
	s6 =	sadd.s32 @!p0 $0x88, s6;
	s7 =	simm.s32 @p2 $0x1082  }
0x22: {  	[simem:s7], [sflag:s8] =	dma.local @!p0 [hbm:s6], $0xF7A  }
0x23: {  	s9 =	sor.u32 $0xD0000000, s2;
	s6 =	simm.s32 $0x108;
	_ =	swait.ge @!p0 [sflag:s8], $0x0  }
0x24: {  	s3 =	sadd.s32 $0x88, s3;
	s6 =	simm.s32 @!p1 $0x1082;
	[sflag:s4] =	ssyncset.s32 $0xFFFFF086  }
0x25: {  	[simem:s6], [sflag:s4] =	dma.local [hbm:s3], $0xF7A  }
0x26: {  	[smem:$0x3F9C] =	sst s1;
	(tag) =	ssettag s2;
	_ =	strace s9  }
0x27: {  	s1 =	sld [smem:$0x3FAC]  }
0x28: {  	s2 =	sld [smem:$0x3FAD]  }
0x29: {  	s4 =	sld [smem:$0x3FAF]  }
0x2a: {  	p0 =	seq.s32 s5, $0x0;
	s5 =	sld [smem:$0x3FB0]  }
0x2b: {  	s6 =	sld [smem:$0x3FB1]  }
0x2c: {  	s7 =	sld [smem:$0x3FB2]  }
0x2d: {  	s3 =	simm.s32 $0x108;
	s8 =	sld [smem:$0x3FB3]  }
0x2e: {  	s3 =	simm.s32 @!p0 $0x1082;
	s9 =	sld [smem:$0x3FB4]  }
0x2f: {  	lr =	sadd.s32 s0, s3;
	s0 =	sld [smem:$0x3FAB]  }
0x30: {  	s3 =	sld [smem:$0x3FAE]  }
0x31: {  	[smem:$0x3FB7] =	sst s10  }
0x32: {  	s10 =	sld [smem:$0x3FB5];
	_ =	sdelay $0x3  }
0x33: {  	p0 =	seq.s32 s10, $0x1;
	s10 =	sld [smem:$0x3FB7];
	_ =	sdelay $0x3  }
0x34: {  	[smem:$0x3FB7] =	sst s10  }
0x35: {  	s10 =	sld [smem:$0x3FB6];
	_ =	sdelay $0x3  }
0x36: {  	p1 =	seq.s32 s10, $0x1;
	s10 =	sld [smem:$0x3FB7];
	_ =	sdelay $0x3  }
0x37: {  	[smem:$0x3FB7] =	sst s10  }
0x38: {  	s10 =	sld [smem:$0x3FB8]  }
0x39: {  	_ = 	snop;
	(pc) =	sbr.ind lr, $3  }
0x3a: {  	_ = 	snop  }
0x3b: {  	_ = 	snop  }
0x3c: {  	p2 =	seq.s32 s10, $0x1;
	s10 =	sld [smem:$0x3FB7]  }
0x3d: {  	_ =	shalt  }
0x3e: {  	_ =	shalt  }
0x3f: {  	_ =	shalt  }
0x40: {  	_ =	shalt  }
0x41: {  	_ =	shalt  }
0x42: {  	_ =	shalt  }
0x43: {  	_ =	shalt  }
0x44: {  	_ =	shalt  }
0x45: {  	_ =	shalt  }
0x46: {  	_ =	shalt  }
0x47: {  	_ =	shalt  }
0x48: {  	_ =	shalt  }
0x49: {  	_ =	shalt  }
0x4a: {  	_ =	shalt  }
0x4b: {  	_ =	shalt  }
0x4c: {  	_ =	shalt  }
0x4d: {  	_ =	shalt  }
0x4e: {  	_ =	shalt  }
0x4f: {  	_ =	shalt  }
0x50: {  	_ =	shalt  }
0x51: {  	_ =	shalt  }
0x52: {  	_ =	shalt  }
0x53: {  	_ =	shalt  }
0x54: {  	_ =	shalt  }
0x55: {  	_ =	shalt  }
0x56: {  	_ =	shalt  }
0x57: {  	_ =	shalt  }
0x58: {  	_ =	shalt  }
0x59: {  	_ =	shalt  }
0x5a: {  	_ =	shalt  }
0x5b: {  	_ =	shalt  }
0x5c: {  	_ =	shalt  }
0x5d: {  	_ =	shalt  }
0x5e: {  	_ =	shalt  }
0x5f: {  	_ =	shalt  }
0x60: {  	_ =	shalt  }
0x61: {  	_ =	shalt  }
0x62: {  	_ =	shalt  }
0x63: {  	_ =	shalt  }
0x64: {  	_ =	shalt  }
0x65: {  	_ =	shalt  }
0x66: {  	_ =	shalt  }
0x67: {  	_ =	shalt  }
0x68: {  	_ =	shalt  }
0x69: {  	_ =	shalt  }
0x6a: {  	_ =	shalt  }
0x6b: {  	_ =	shalt  }
0x6c: {  	_ =	shalt  }
0x6d: {  	_ =	shalt  }
0x6e: {  	_ =	shalt  }
0x6f: {  	_ =	shalt  }
0x70: {  	_ =	shalt  }
0x71: {  	_ =	shalt  }
0x72: {  	_ =	shalt  }
0x73: {  	_ =	shalt  }
0x74: {  	_ =	shalt  }
0x75: {  	_ =	shalt  }
0x76: {  	_ =	shalt  }
0x77: {  	_ =	shalt  }
0x78: {  	_ =	shalt  }
0x79: {  	_ =	shalt  }
0x7a: {  	_ =	shalt  }
0x7b: {  	_ =	shalt  }
0x7c: {  	_ =	shalt  }
0x7d: {  	_ =	shalt  }
0x7e: {  	_ =	shalt  }
0x7f: {  	_ =	shalt  }
0x80: {  	_ =	shalt  }
0x81: {  	_ =	shalt  }
0x82: {  	_ =	shalt  }
0x83: {  	_ =	shalt  }
0x84: {  	_ =	shalt  }
0x85: {  	_ =	shalt  }
0x86: {  	_ =	shalt  }
0x87: {  	_ =	shalt  }
.Lfunc_end0:
.L_simem_size_0:
called_computation.1_lowered:
.L_overlay_start_0:
0x88: {  	s2 =	sld [smem:$0x3FD9]  }
0x89: {  	s3 =	sld [smem:$0x3FFE];
	_ =	sdelay $0x1  }
0x8a: {  	s1 =	srdreg.scid  }
0x8b: {  	s0 =	sand.u32 $0x1, s1  }
0x8c: {  	s17 =	sshll.u32 s0, $0xA;
	s2 =	sadd.s32 s3, s2  }
0x8d: {  	s2 =	sadd.s32 s2, s17  }
0x8e: {  	[smem:$0x3FC3] =	sst s2  }
0x8f: {  	_ = 	snop  }
0x90: {  	s2 =	sld [smem:$0x3FD0];
	(tm) =	ssettm $0x1  }
0x91: {  	s18 =	sld [smem:$0x3FFB];
	_ =	sdelay $0x3  }
0x92: {  	_ =	strace s18  }
0x93: {  	s3 =	sld [smem:$0x3FFC];
	_ =	sdelay $0x3  }
0x94: {  	_ =	strace s3  }
0x95: {  	s3 =	sld [smem:$0x3FFD];
	_ =	sdelay $0x3  }
0x96: {  	_ =	strace s3  }
0x97: {  	_ =	strace $0x8FFFFFFF  }
0x98: {  	s19 =	sld [smem:$0x3FDB];
	_ =	sdelay $0x1  }
0x99: {  	s4 =	simm.s32 $_scs_section_size  }
0x9a: {  	s5 =	simm.s32 $_size__tile_overlayer_lowered;
	s6 =	simm.s32 $_tile_overlayer_lowered  }
0x9b: {  	s22 =	simm.s32 $0x1BFF;
	s21 =	sshll.u32 s6, $0x1;
	s3 =	sadd.s32 s4, s19  }
0x9c: {  	s7 =	simm.s32 $0x0;
	s20 =	sshll.u32 s5, $0x1;
	s5 =	sadd.s32 s21, s3  }
0x9d: {  	[timem:s7], [sflag:s22] =	dma.local [hbm:s5], s20  }
0x9e: {  	_ =	swait.ge [sflag:s22], s20  }
0x9f: {  	s4 =	ssub.s32 $0x0, s20;
	[sflag:s22] =	ssyncset.done $0x0  }
0xa0: {  	[sflag:s22] =	ssyncadd.s32 s4;
	_ =	sdelay $0x1  }
0xa1: {  	s23 =	simm.s32 $0x1B8B  }
0xa2: {  	_ =	swait.ge [sflag:s23], $0x1  }
0xa3: {  	[sflag:s23] =	ssyncset.done $0x0  }
0xa4: {  	s25 =	simm.s32 $0x1B8E;
	s24 =	sld [smem:$0x3FFE];
	[sflag:s23] =	ssyncadd.s32 $0xFFFFFFFF  }
0xa5: {  	s26 =	simm.s32 $execute0_lowered;
	[smem:$0x3FD2] =	sst s25  }
0xa6: {  	s5 =	sshll.u32 s26, $0x1;
	_ =	strace $0x80000049;
	[dreg:$0x1] =	wrdreg $0xFFFFFFFF  }
0xa7: {  	s28 =	simm.s32 $_size_execute0_lowered;
	s3 =	sadd.s32 s3, s5;
	[dreg:$0x0] =	wrdreg $0x0  }
0xa8: {  	s5 =	sshll.u32 s28, $0x1;
	[dreg:$0x2] =	wrdreg s3  }
0xa9: {  	[dreg:$0x3] =	wrdreg s5  }
0xaa: {  	[dreg:$0x4] =	wrdreg $0xC0  }
0xab: {  	_ =	task [dreg:s7], $0x5FFFF  }
0xac: {  	[dreg:$0x1] =	wrdreg $0xFFFFFFFF  }
0xad: {  	[dreg:$0x0] =	wrdreg $0x60  }
0xae: {  	[dreg:$0x2] =	wrdreg s24  }
0xaf: {  	[dreg:$0x3] =	wrdreg s2  }
0xb0: {  	[dreg:$0x4] =	wrdreg $0xDBE00  }
0xb1: {  	[dreg:$0x5] =	wrdreg $0x9  }
0xb2: {  	_ =	task.clear_ibuf [dreg:s7], $0x6FFFF;
	_ =	strace $0x90000049  }
0xb3: {  	s29 =	simm.s32 $0x9;
	_ =	strace $0x8000004B  }
0xb4: {  	_ =	swait.ge [sflag:s29], $0x1  }
0xb5: {  	[sflag:s29] =	ssyncadd.s32 $0xFFFFFFFF  }
0xb6: {  	_ =	strace $0x9000004B  }
0xb7: {  	_ =	sfence  }
0xb8: {  	s30 =	sld [smem:$0x0];
	_ =	sdelay $0x2  }
0xb9: {  	s31 =	sshll.u32 s1, $0xD;
	s1 =	sshrl.u32 s1, $0x2  }
0xba: {  	s3 =	sand.u32 $0x4000, s31;
	s1 =	sadd.s32 s1, s30  }
0xbb: {  	s0 =	sor.u32 s3, s0;
	s1 =	sshll.u32 s1, $0x11  }
0xbc: {  	s0 =	sor.u32 s1, s0  }
0xbd: {  	s0 =	sadd.s32 $0x8F2B, s0  }
0xbe: {  	[sflag:s0] =	ssyncadd.remote.s32 $0x1  }
0xbf: {  	_ =	sfence.sel $0xFFFF  }
0xc0: {  	[dreg:$0x0] =	wrdreg $0xFFFFFFFF;
	(pc) =	sbr.abs _section_cstart, $3  }
0xc1: {  	[dreg:$0x1] =	wrdreg $0xFFFFFFFF  }
0xc2: {  	_ =	task.clear_ibuf [dreg:s7], $0x2FFFF;
	_ =	strace $0x9FFFFFFF  }
0xc3: {  	(tm) =	ssettm $0x7FFFFFFF  }
tec
execute0_lowered:
.L_overlay_start_1:
0x0: {  	(tag) =	ssettag $0x1  }
0x1: {  	s0 =	rddreg [dreg:$0x0]  }
0x2: {  	s1 =	rddreg [dreg:$0x1]  }
0x3: {  	s2 =	rddreg [dreg:$0x2]  }
0x4: {  	s4 =	srdreg.scid;
	s12 =	stileid.u32;
	s3 =	simm.s32 $0x0  }
0x5: {  	s18 =	simm.s32 $0x77E0;
	s19 =	simm.s32 $0x2;
	s21 =	simm.s32 $0x6520  }
0x6: {  	s22 =	simm.s32 $0x320;
	s23 =	simm.s32 $0x1;
	s24 =	simm.s32 $0x6E80  }
0x7: {  	s28 =	simm.s32 $0x0;
	s29 =	simm.s32 $0x0;
	s7 =	sand.u32 $0x1, s4  }
0x8: {  	s8 =	smul.u32 $0x18800, s12;
	[smem:$0x7FF] =	sst s3;
	s4 =	sadd.s32 $0xC3A00, s0  }
0x9: {  	s5 =	sadd.s32 $0xDCA00, s0;
	s6 =	sadd.s32 $0xFC200, s0;
	s11 =	smul.u32 $0x31000, s12  }
0xa: {  	s13 =	sadd.s32 $0xF5A00, s0;
	s14 =	smul.u32 $0x1900, s12;
	s12 =	sshll.u32 s12, $0x6  }
0xb: {  	s9 =	smul.u32 $0x188000, s7;
	_ =	strace $0x8000004A;
	s7 =	ssub.s32 $0x2, s7  }
0xc: {  	[dreg:$0x4] =	wrdreg s13;
	s25 =	sshrl.u32 s7, $0x1;
	s11 =	sshrl.u32 s11, $0x2  }
0xd: {  	s13 =	sadd.s32 s4, s14;
	s14 =	sadd.s32 s5, s14;
	s10 =	sadd.s32 s8, s9  }
0xe: {  	s8 =	sshrl.u32 s8, $0x1;
	s7 =	ssub.s32 s7, s25;
	s11 =	sadd.s32 s11, s2  }
0xf: {  	s9 =	sshrl.u32 s9, $0x4;
	s25 =	simm.s32 $0x71A0;
	s10 =	sshrl.u32 s10, $0x4  }
0x10: {  	s8 =	sadd.s32 s8, s2;
	s26 =	sadd.s32 $0x3100, s11;
	s30 =	sadd.s32 $0x6200, s11  }
0x11: {  	s31 =	sadd.s32 $0x9300, s11;
	s15 =	sadd.s32 s1, s9;
	[dreg:$0x5] =	wrdreg s26  }
0x12: {  	s17 =	smax.u32 s7, $0x1;
	s0 =	sadd.s32 s10, s0;
	[dreg:$0x6] =	wrdreg s30  }
0x13: {  	v0 =	vimm.bf16 $0.0e+00;
	[dreg:$0x7] =	wrdreg s31;
	s26 =	simm.s32 $0x74C0;
	s16 =	sadd.s32 $0x115200, s0  }
.LBB2_1:
0x14: {  	s0 =	simm.s32 $0x40;
	s1 =	simm.s32 $0x0  }
.LBB2_2:
0x15: {  	p0 =	sne.s32 s0, $0xC3C0;
	[tilespmem:s1+$0x77E0] =	vst v0;
	s1 =	smov.u32 s0;
	s0 =	sadd.s32 $0x40, s0  }
.Ltmp0:
0x16: {  	(pc) =	sbr.rel @p0 .LBB2_2-.Ltmp0, $2  }
0x17: {  	_ =	sdelay $0x2  }
0x18: {  	s1 =	sshra.s32 s1, $0x2  }
0x19: {  	[tilespmem:s1+$0x77E0] =	vst v0  }
0x1a: {  	[spmem:s8] =	stream.linear.scatter [tilespmem:s18], [sflag:$0x2], $0x3100, $0x38;
	[tilespmem:$0x19FE0] =	vst v63  }
0x1b: {  	_ =	swait.ge [sflag:s19], $0x3100  }
0x1c: {  	[sflag:s19] =	ssyncset.done $0x0  }
0x1d: {  	s0 =	rddreg [dreg:$0x5];
	[sflag:s19] =	ssyncadd.s32 $0xFFFFCF00  }
0x1e: {  	[spmem:s0] =	stream.linear.scatter [tilespmem:s18], [sflag:$0x2], $0x3100, $0x38;
	[tilespmem:$0x19FE0] =	vst v63  }
0x1f: {  	_ =	swait.ge [sflag:s19], $0x3100  }
0x20: {  	[sflag:s19] =	ssyncset.done $0x0  }
0x21: {  	s10 =	rddreg [dreg:$0x6];
	[sflag:s19] =	ssyncadd.s32 $0xFFFFCF00  }
0x22: {  	[spmem:s10] =	stream.linear.scatter [tilespmem:s18], [sflag:$0x2], $0x3100, $0x38;
	[tilespmem:$0x19FE0] =	vst v63  }
0x23: {  	_ =	swait.ge [sflag:s19], $0x3100  }
0x24: {  	[sflag:s19] =	ssyncset.done $0x0  }
0x25: {  	s11 =	rddreg [dreg:$0x7];
	[sflag:s19] =	ssyncadd.s32 $0xFFFFCF00  }
0x26: {  	[spmem:s11] =	stream.linear.scatter [tilespmem:s18], [sflag:$0x2], $0x3100, $0x38;
	[tilespmem:$0x19FE0] =	vst v63  }
0x27: {  	_ =	swait.ge [sflag:s19], $0x3100  }
0x28: {  	[sflag:s19] =	ssyncset.done $0x0  }
0x29: {  	s20 =	rddreg [dreg:$0x4];
	[sflag:s19] =	ssyncadd.s32 $0xFFFFCF00  }
0x2a: {  	[tilespmem:s29], [sflag:$0x2] =	stream.linear.gather [hbm4b:s20+s29], $0x6200, $0x38;
	[tilespmem:$0x19FE0] =	vst v63  }
0x2b: {  	_ =	swait.ge [sflag:s19], $0x6200  }
0x2c: {  	[sflag:s19] =	ssyncset.done $0x0  }
0x2d: {  	[sflag:s19] =	ssyncadd.s32 $0xFFFF9E00  }
0x2e: {  	s31 =	simm.s32 $0x6200;
	[bflag:$0x0] =	sbarrier.arrive $0xFFFF  }
0x2f: {  	[tilespmem:s31], [sflag:$0x2] =	stream.linear.gather [hbm4b:s13+s29], $0x320, $0x38;
	[tilespmem:$0x19FE0] =	vst v63  }
0x30: {  	_ =	swait.ge [sflag:s19], $0x320  }
0x31: {  	[sflag:s19] =	ssyncset.done $0x0  }
0x32: {  	[sflag:s19] =	ssyncadd.s32 $0xFFFFFCE0  }
0x33: {  	[tilespmem:s21], [sflag:$0x2] =	stream.linear.gather [hbm4b:s14+s29], $0x320, $0x38;
	[tilespmem:$0x19FE0] =	vst v63  }
0x34: {  	_ =	swait.ge [sflag:s19], $0x320  }
0x35: {  	[sflag:s19] =	ssyncset.done $0x0  }
0x36: {  	p0 =	por $0x0, $0x0;
	s30 =	simm.s32 $0x0;
	[sflag:s19] =	ssyncadd.s32 $0xFFFFFCE0  }
0x37: {  	[tilespmem:s18], [sflag:$0x1] =	stream.indirect.gather [hbm4b:s15+s22], $0x10, s21, s22, $0xb8;
	[tilespmem:$0x19FE0] =	vst v63  }
.LBB2_4:
0x38: {  	s1 =	sand.u32 $0x1, s30;
	p1 =	seq.s32 s30, $0x3F  }
0x39: {  	s0 =	smov.u32 s30;
	s30 =	sadd.s32 $0x1, s30;
	s7 =	sxor.u32 @!p1 $0x1, s1  }
0x3a: {  	s20 =	sadd.s32 @!p1 s12, s30;
	s9 =	smul.u32 @!p1 $0x1900, s7  }
0x3b: {  	s20 =	smul.u32 @!p1 $0x64, s20  }
0x3c: {  	s9 =	sshrl.u32 @!p1 s9, $0x2  }
0x3d: {  	s11 =	simm.s32 @!p1 $0x0;
	s10 =	sadd.s32 @!p1 s4, s20;
	s31 =	sadd.s32 @!p1 $0x6200, s9  }
0x3e: {  	[tilespmem:s31], [sflag:$0x2] =	stream.linear.gather @!p1 [hbm4b:s10+s11], $0x320, $0x38;
	[tilespmem:$0x19FE0] =	vst v63  }
0x3f: {  	s10 =	simm.s32 @!p1 $0x2  }
0x40: {  	_ =	swait.ge @!p1 [sflag:s10], $0x320  }
0x41: {  	s7 =	smul.u32 @!p1 $0xC800, s7;
	[sflag:s10] =	ssyncset.done @!p1 $0x0  }
0x42: {  	s20 =	sadd.s32 @!p1 s5, s20;
	s9 =	sadd.s32 @!p1 $0x6520, s9;
	[sflag:s10] =	ssyncadd.s32 @!p1 $0xFFFFFCE0  }
0x43: {  	[tilespmem:s9], [sflag:$0x2] =	stream.linear.gather @!p1 [hbm4b:s20+s11], $0x320, $0x38;
	[tilespmem:$0x19FE0] =	vst v63  }
0x44: {  	s7 =	sshrl.u32 @!p1 s7, $0x2;
	_ =	swait.ge @!p1 [sflag:s10], $0x320  }
0x45: {  	s0 =	sor.u32 s12, s0;
	s7 =	sadd.s32 @!p1 $0x77E0, s7;
	[sflag:s10] =	ssyncset.done @!p1 $0x0  }
0x46: {  	s11 =	smul.u32 $0x320, s0;
	[sflag:s10] =	ssyncadd.s32 @!p1 $0xFFFFFCE0;
	s10 =	simm.s32 @!p1 $0x320  }
0x47: {  	[tilespmem:s7], [sflag:$0x1] =	stream.indirect.gather @!p1 [hbm4b:s15+s10], $0x10, s9, s10, $0xb8;
	[tilespmem:$0x19FE0] =	vst v63  }
0x48: {  	s9 =	simm.s32 $0x1  }
0x49: {  	s20 =	sshrl.u32 s11, $0x3;
	s9 =	simm.s32 @!p0 $0x0  }
0x4a: {  	p1 =	slt.u32 s0, $0x1F4;
	s0 =	simm.s32 $0x61A80;
	s10 =	smul.u32 $0xC800, s9  }
0x4b: {  	s7 =	sadd.s32 s6, s20;
	s0 =	simm.s32 @!p1 $0xFFF9E580;
	s9 =	smul.u32 $0x1900, s9  }
0x4c: {  	[tilespmem:s24], [sflag:$0x2] =	stream.linear.gather [hbm4b:s7+s29], $0x320, $0x38;
	[tilespmem:$0x19FE0] =	vst v63  }
0x4d: {  	s0 =	sadd.s32 s11, s0;
	_ =	swait.ge [sflag:s19], $0x320;
	s9 =	sshrl.u32 s9, $0x2  }
0x4e: {  	s0 =	sshrl.u32 s0, $0x3;
	[sflag:s19] =	ssyncset.done $0x0;
	s9 =	sadd.s32 $0x6200, s9  }
0x4f: {  	s20 =	smul.u32 $0x1900, s1;
	s0 =	sadd.s32 s6, s0;
	[sflag:s19] =	ssyncadd.s32 $0xFFFFFCE0;
	v1 =	vmov s9  }
0x50: {  	[tilespmem:s25], [sflag:$0x2] =	stream.linear.gather [hbm4b:s0+s29], $0x320, $0x38;
	[tilespmem:$0x19FE0] =	vst v63  }
0x51: {  	s7 =	sshrl.u32 s20, $0x2;
	s20 =	simm.s32 $0x40;
	_ =	swait.ge [sflag:s19], $0x320  }
0x52: {  	s31 =	sadd.s32 $0x6200, s7;
	s11 =	sshrl.u32 s10, $0x2;
	[sflag:s19] =	ssyncset.done $0x0  }
0x53: {  	s7 =	simm.s32 $0x0;
	s0 =	sadd.s32 $0x7800, s11;
	[sflag:s19] =	ssyncadd.s32 $0xFFFFFCE0  }
.LBB2_5:
0x54: {  	p1 =	sne.s32 s20, $0xC40;
	v2 =	vld.idx.msk [tilespmem:v1+s7+$0x0 ss:$0x1], $0xffff;
	_ =	sdelay $0x1  }
0x55: {  	v3 =	vld.idx.msk [tilespmem:v1+s7+$0x320 ss:$0x1], $0xffff;
	_ =	sdelay $0x3  }
0x56: {  	v4 =	vshra.s32 v2, $0x1;
	_ =	sdelay $0x1  }
0x57: {  	v5 =	vshra.s32 v3, $0x1  }
0x58: {  	v6 =	vld [tilespmem:s7+$0x6E80]  }
0x59: {  	v7 =	vld [tilespmem:s7+$0x71A0]  }
0x5a: {  	v4 =	vld.idx.msk [tilespmem:v4+s3+$0x0], $0xffff;
	_ =	sdelay $0x1  }
0x5b: {  	v5 =	vld.idx.msk [tilespmem:v5+s3+$0x0], $0xffff;
	_ =	sdelay $0x1  }
0x5c: {  	v2 =	vshll.u32 v2, $0x4;
	v6 =	vmul.f32 v7, v6  }
0x5d: {  	v2 =	vand.u32 $0x10, v2  }
0x5e: {  	v3 =	vshll.u32 v3, $0x4;
	v2 =	vshrl.u32 v4, v2;
	v4 =	vsub.f32 $0.0e+00, v6  }
0x5f: {  	v3 =	vand.u32 $0x10, v3;
	v2 =	vshll.u32 v2, $0x10  }
.Ltmp1:
0x60: {  	v3 =	vshrl.u32 v5, v3;
	v2 =	vmul.f32 v2, v4;
	(pc) =	sbr.rel @p1 .LBB2_5-.Ltmp1, $3  }
0x61: {  	v3 =	vshll.u32 v3, $0x10  }
0x62: {  	v2 =	vmul.f32 v3, v2;
	_ =	sdelay $0x1  }
0x63: {  	[tilespmem:s7+$0x74C0] =	vst v2;
	s7 =	sshra.s32 s20, $0x2;
	s20 =	sadd.s32 $0x40, s20  }
0x64: {  	_ =	sdelay $0x3  }
0x65: {  	v2 =	vld.idx.msk [tilespmem:v1+s7+$0x0 ss:$0x1], $0xffff;
	_ =	sdelay $0x1  }
0x66: {  	v1 =	vld.idx.msk [tilespmem:v1+s7+$0x320 ss:$0x1], $0xffff;
	_ =	sdelay $0x2  }
0x67: {  	v3 =	vshra.s32 v2, $0x1;
	_ =	sdelay $0x1  }
0x68: {  	v5 =	vld [tilespmem:s7+$0x6E80];
	v4 =	vshra.s32 v1, $0x1  }
0x69: {  	v6 =	vld [tilespmem:s7+$0x71A0];
	_ =	sdelay $0x1  }
0x6a: {  	v3 =	vld.idx.msk [tilespmem:v3+s3+$0x0], $0xffff;
	_ =	sdelay $0x1  }
0x6b: {  	v4 =	vld.idx.msk [tilespmem:v4+s3+$0x0], $0xffff  }
0x6c: {  	v2 =	vshll.u32 v2, $0x4;
	v5 =	vmul.f32 v6, v5  }
0x6d: {  	v2 =	vand.u32 $0x10, v2  }
0x6e: {  	v1 =	vshll.u32 v1, $0x4;
	v2 =	vshrl.u32 v3, v2;
	v3 =	vsub.f32 $0.0e+00, v5  }
0x6f: {  	s9 =	simm.s32 $0x0;
	v1 =	vand.u32 $0x10, v1;
	v2 =	vshll.u32 v2, $0x10  }
0x70: {  	v1 =	vshrl.u32 v4, v1;
	v2 =	vmul.f32 v2, v3;
	v3 =	vmov s9  }
0x71: {  	v1 =	vshll.u32 v1, $0x10;
	v3 =	vand.u32 $0xFFFFFFFC, v3  }
0x72: {  	v1 =	vmul.f32 v1, v2;
	v2 =	vbroadcast v3, $0x0;
	_ =	sdelay $0x1  }
0x73: {  	[tilespmem:s7+$0x74C0] =	vst v1  }
0x74: {  	_ =	swait.ge [sflag:s23], $0x3200  }
0x75: {  	[sflag:s23] =	ssyncset.done $0x0  }
0x76: {  	[sflag:s23] =	ssyncadd.s32 $0xFFFFCE00  }
0x77: {  	s10 =	simm.s32 $0x1;
	v1 =	vld.idx.msk [tilespmem:v2+s26+$0x0], $0xffff  }
0x78: {  	v3 =	vmov s10;
	v2 =	vld [tilespmem:s0+$0xFFFFFFE0]  }
0x79: {  	v3 =	vand.u32 $0xFFFFFFFD, v3  }
0x7a: {  	v3 =	vbroadcast v3, $0x0;
	_ =	sdelay $0x1  }
0x7b: {  	v1 =	vpack.i.f32.bf16 v1, v1  }
0x7c: {  	v1 =	vmul.bf16 v2, v1;
	_ =	sdelay $0x1  }
0x7d: {  	[tilespmem:s0+$0xFFFFFFE0] =	vst v1  }
0x7e: {  	s11 =	simm.s32 $0x2;
	v1 =	vld.idx.msk [tilespmem:v3+s26+$0x0], $0xffff  }
0x7f: {  	v2 =	vld [tilespmem:s0+$0xFFFFFFF0];
	v3 =	vmov s11  }
0x80: {  	v3 =	vand.u32 $0xFFFFFFFE, v3  }
0x81: {  	v3 =	vbroadcast v3, $0x0;
	_ =	sdelay $0x1  }
0x82: {  	v1 =	vpack.i.f32.bf16 v1, v1  }
0x83: {  	v1 =	vmul.bf16 v2, v1;
	_ =	sdelay $0x1  }
0x84: {  	[tilespmem:s0+$0xFFFFFFF0] =	vst v1  }
0x85: {  	v1 =	vld.idx.msk [tilespmem:v3+s26+$0x0], $0xffff  }
0x86: {  	v2 =	vld [tilespmem:s0+$0x0];
	_ =	sdelay $0x1  }
0x87: {  	s20 =	simm.s32 $0x3  }
0x88: {  	v3 =	vmov s20  }
0x89: {  	s1 =	smul.u32 $0xC800, s1;
	v1 =	vpack.i.f32.bf16 v1, v1  }
0x8a: {  	v1 =	vmul.bf16 v2, v1  }
0x8b: {  	s1 =	sshrl.u32 s1, $0x2  }
0x8c: {  	s1 =	sadd.s32 $0x77E0, s1;
	[tilespmem:s0+$0x0] =	vst v1  }
0x8d: {  	s9 =	simm.s32 $0x4;
	s7 =	simm.s32 $0xB;
	s20 =	simm.s32 $0x7;
	v1 =	vld.idx.msk [tilespmem:v3+s26+$0x0], $0xffff  }
.LBB2_7:
0x8e: {  	p1 =	sne.s32 s7, $0x31F;
	v2 =	vmov s9;
	v3 =	vld [tilespmem:s0+$0x10]  }
0x8f: {  	v2 =	vand.u32 $0xFFFFFFFC, v2  }
0x90: {  	v2 =	vbroadcast v2, $0x0;
	_ =	sdelay $0x1  }
0x91: {  	v1 =	vpack.i.f32.bf16 v1, v1  }
0x92: {  	v1 =	vmul.bf16 v3, v1;
	_ =	sdelay $0x1  }
0x93: {  	[tilespmem:s0+$0x10] =	vst v1  }
0x94: {  	v1 =	vld.idx.msk [tilespmem:v2+s26+$0x0], $0xffff  }
0x95: {  	s9 =	sadd.s32 $0xFFFFFFFE, s20;
	s0 =	sadd.s32 $0x40, s0  }
0x96: {  	v3 =	vmov s9;
	v2 =	vld [tilespmem:s0+$0xFFFFFFE0]  }
0x97: {  	v3 =	vand.u32 $0xFFFFFFFD, v3  }
0x98: {  	v3 =	vbroadcast v3, $0x0;
	_ =	sdelay $0x1  }
0x99: {  	v1 =	vpack.i.f32.bf16 v1, v1  }
0x9a: {  	v1 =	vmul.bf16 v2, v1;
	_ =	sdelay $0x1  }
0x9b: {  	[tilespmem:s0+$0xFFFFFFE0] =	vst v1  }
0x9c: {  	v1 =	vld.idx.msk [tilespmem:v3+s26+$0x0], $0xffff  }
0x9d: {  	s9 =	sadd.s32 $0xFFFFFFFF, s20  }
0x9e: {  	v3 =	vmov s9;
	v2 =	vld [tilespmem:s0+$0xFFFFFFF0]  }
0x9f: {  	v3 =	vand.u32 $0xFFFFFFFE, v3  }
0xa0: {  	v3 =	vbroadcast v3, $0x0;
	_ =	sdelay $0x1  }
0xa1: {  	v1 =	vpack.i.f32.bf16 v1, v1  }
0xa2: {  	v1 =	vmul.bf16 v2, v1;
	_ =	sdelay $0x1  }
0xa3: {  	[tilespmem:s0+$0xFFFFFFF0] =	vst v1  }
0xa4: {  	v1 =	vld.idx.msk [tilespmem:v3+s26+$0x0], $0xffff;
	_ =	sdelay $0x1  }
0xa5: {  	v2 =	vld [tilespmem:s0+$0x0];
	_ =	sdelay $0x2  }
0xa6: {  	v3 =	vmov s20;
	s20 =	smov.u32 s7  }
0xa7: {  	v1 =	vpack.i.f32.bf16 v1, v1  }
.Ltmp2:
0xa8: {  	v1 =	vmul.bf16 v2, v1;
	(pc) =	sbr.rel @p1 .LBB2_7-.Ltmp2, $4  }
0xa9: {  	_ = 	snop  }
0xaa: {  	[tilespmem:s0+$0x0] =	vst v1  }
0xab: {  	v1 =	vld.idx.msk [tilespmem:v3+s26+$0x0], $0xffff  }
0xac: {  	s7 =	sadd.s32 $0x4, s7;
	s9 =	sadd.s32 $0xFFFFFFFD, s20  }
0xad: {  	v2 =	vmov s9;
	v3 =	vld [tilespmem:s0+$0x10]  }
0xae: {  	v2 =	vand.u32 $0xFFFFFFFC, v2  }
0xaf: {  	v2 =	vbroadcast v2, $0x0;
	_ =	sdelay $0x1  }
0xb0: {  	v1 =	vpack.i.f32.bf16 v1, v1  }
0xb1: {  	v1 =	vmul.bf16 v3, v1;
	_ =	sdelay $0x1  }
0xb2: {  	[tilespmem:s0+$0x10] =	vst v1  }
0xb3: {  	s7 =	sadd.s32 $0xFFFFFFFE, s20;
	s10 =	sadd.s32 $0x40, s0;
	v1 =	vld.idx.msk [tilespmem:v2+s26+$0x0], $0xffff  }
0xb4: {  	v3 =	vmov s7;
	v2 =	vld [tilespmem:s10+$0xFFFFFFE0]  }
0xb5: {  	v3 =	vand.u32 $0xFFFFFFFD, v3  }
0xb6: {  	v3 =	vbroadcast v3, $0x0;
	_ =	sdelay $0x1  }
0xb7: {  	v1 =	vpack.i.f32.bf16 v1, v1  }
0xb8: {  	v1 =	vmul.bf16 v2, v1;
	_ =	sdelay $0x1  }
0xb9: {  	[tilespmem:s10+$0xFFFFFFE0] =	vst v1  }
0xba: {  	s11 =	sadd.s32 $0xFFFFFFFF, s20;
	v1 =	vld.idx.msk [tilespmem:v3+s26+$0x0], $0xffff  }
0xbb: {  	v2 =	vld [tilespmem:s10+$0xFFFFFFF0];
	v3 =	vmov s11  }
0xbc: {  	v3 =	vand.u32 $0xFFFFFFFE, v3  }
0xbd: {  	v3 =	vbroadcast v3, $0x0;
	_ =	sdelay $0x1  }
0xbe: {  	v1 =	vpack.i.f32.bf16 v1, v1  }
0xbf: {  	v1 =	vmul.bf16 v2, v1;
	_ =	sdelay $0x1  }
0xc0: {  	[tilespmem:s10+$0xFFFFFFF0] =	vst v1  }
0xc1: {  	v1 =	vld.idx.msk [tilespmem:v3+s26+$0x0], $0xffff  }
0xc2: {  	v2 =	vld [tilespmem:s10+$0x0];
	_ =	sdelay $0x2  }
0xc3: {  	v3 =	vmov s20  }
0xc4: {  	v1 =	vpack.i.f32.bf16 v1, v1  }
0xc5: {  	v1 =	vmul.bf16 v2, v1;
	_ =	sdelay $0x1  }
0xc6: {  	[tilespmem:s10+$0x0] =	vst v1  }
0xc7: {  	v1 =	vld.idx.msk [tilespmem:v3+s26+$0x0], $0xffff  }
0xc8: {  	v2 =	vld [tilespmem:s10+$0x10];
	_ =	sdelay $0x3  }
0xc9: {  	v1 =	vpack.i.f32.bf16 v1, v1  }
0xca: {  	v1 =	vmul.bf16 v2, v1  }
0xcb: {  	p1 =	sne.s32 s30, $0x40  }
.Ltmp3:
0xcc: {  	[tilespmem:s10+$0x10] =	vst v1;
	(pc) =	sbr.rel @p1 .LBB2_4-.Ltmp3, $4  }
0xcd: {  	[spmem:s2] =	stream.indirect.scatter.add.bf16 [tilespmem:s1], [sflag:$0x2], $0x10, s31, s22, $0xb8;
	[tilespmem:$0x19FE0] =	vst v63  }
0xce: {  	_ =	swait.ge [sflag:s19], $0x3200  }
0xcf: {  	[sflag:s19] =	ssyncset.done $0x0  }
0xd0: {  	p0 =	por !p0, !p0;
	[sflag:s19] =	ssyncadd.s32 $0xFFFFCE00  }
0xd1: {  	s28 =	sadd.s32 $0x1, s28  }
0xd2: {  	[bflag:$0x0] =	sbarrier.arrive $0xFFFF;
	p0 =	sne.s32 s28, s17  }
.Ltmp4:
0xd3: {  	s0 =	sor.u32 $0x1C02, s12;
	s1 =	sshrl.u32 s8, $0x3;
	(pc) =	sbr.rel @p0 .LBB2_1-.Ltmp4, $4  }
0xd4: {  	[hbm:s16], [sflag:s0] =	dma.local [spmem:s1], $0x1880  }
0xd5: {  	_ =	swait.ge [sflag:s19], $0x1880  }
0xd6: {  	[sflag:s19] =	ssyncset.done $0x0  }
0xd7: {  	[sflag:s19] =	ssyncadd.s32 $0xFFFFE780  }
0xd8: {  	_ =	sfence.sel $0x180000  }
0xd9: {  	[bflag:$0x0] =	sbarrier.arrive $0xFFFF  }
0xda: {  	_ =	strace $0x9000004A  }
0xdb: {  	s0 =	stileid.u32;
	[bflag:$0x2] =	sbarrier.arrive $0xFFFF  }
0xdc: {  	p0 =	sne.s32 s0, $0x0;
	s0 =	rddreg [dreg:$0x3]  }
0xdd: {  	s0 =	sadd.s32 @!p0 $0x100000, s0  }
0xde: {  	[sflag:s0] =	ssyncadd.tile.s32 @!p0 $0x1;
	_ =	shalt  }
.Lfunc_end2:
_tile_overlayer_lowered:
.L_overlay_start_2:
0xdf: {  	(tag) =	ssettag $0x2  }
0xe0: {  	s0 =	rddreg [dreg:$0x0];
	s2 =	stileid.u32  }
0xe1: {  	s1 =	rddreg [dreg:$0x1];
	p0 =	sne.s32 s2, $0x0  }
0xe2: {  	s3 =	rddreg [dreg:$0x2];
	[bflag:$0x3] =	sbarrier.arrive $0xFFFF;
	s2 =	simm.s32 @!p0 $0x1C02  }
0xe3: {  	[timem:s3], [sflag:s2] =	dma.local @!p0 [hbm:s0], s1  }
0xe4: {  	s0 =	simm.s32 @!p0 $0x2  }
0xe5: {  	_ =	swait.ge @!p0 [sflag:s0], s1  }
0xe6: {  	s1 =	ssub.s32 @!p0 $0x0, s1;
	[sflag:s0] =	ssyncset.done @!p0 $0x0  }
0xe7: {  	[sflag:s0] =	ssyncadd.s32 @!p0 s1  }
0xe8: {  	[bflag:$0x3] =	sbarrier.arrive $0xFFFF  }
0xe9: {  	_ =	shalt  }

// kernel: kernel.7.cloned.1.call-start
scs
__scs_entry_jumppad:
0x0: {  	(pc) =	sbr.rel $0x88, $3  }
0x1: {  	(tag) =	ssettag $0x0;
	lr =	simm.s32 $0x1  }
0x2: {  	[smem:$0x3F9C] =	sst lr;
	_ =	strace $0xD0000000  }
0x3: {  	_ = 	snop  }
0x4: {  	_ = 	snop  }
0x5: {  	_ = 	snop  }
0x6: {  	_ = 	snop  }
0x7: {  	_ = 	snop  }
__scs_overlays_trampoline_lowered:
0x8: {  	[smem:$0x3FAB] =	sst s0  }
0x9: {  	[smem:$0x3FAC] =	sst s1  }
0xa: {  	[smem:$0x3FAD] =	sst s2  }
0xb: {  	[smem:$0x3FAE] =	sst s3  }
0xc: {  	[smem:$0x3FAF] =	sst s4  }
0xd: {  	[smem:$0x3FB0] =	sst s5  }
0xe: {  	[smem:$0x3FB1] =	sst s6  }
0xf: {  	[smem:$0x3FB2] =	sst s7  }
0x10: {  	[smem:$0x3FB3] =	sst s8  }
0x11: {  	[smem:$0x3FB4] =	sst s9;
	s0 =	simm.s32 @!p0 $0x0  }
0x12: {  	s1 =	sld [smem:$0x3F9A];
	s0 =	simm.s32 @p0 $0x1  }
0x13: {  	[smem:$0x3FB5] =	sst s0;
	s0 =	simm.s32 @!p1 $0x0  }
0x14: {  	s2 =	sld [smem:$0x3F99];
	s0 =	simm.s32 @p1 $0x1  }
0x15: {  	[smem:$0x3FB6] =	sst s0;
	s0 =	simm.s32 @!p2 $0x0  }
0x16: {  	s3 =	sld [smem:$0x3FDB];
	s0 =	simm.s32 @p2 $0x1  }
0x17: {  	s4 =	simm.s32 $0x1BF5;
	[smem:$0x3FB8] =	sst s0  }
0x18: {  	s0 =	sld [smem:$0x3F9B];
	_ =	swait.ge [sflag:s4], $0x0  }
0x19: {  	s7 =	sld [smem:$0x3F9C]  }
0x1a: {  	s8 =	sadd.s32 $0xFFFFE003, lr  }
0x1b: {  	s9 =	sadd.s32 $0xFFFFFEF7, lr;
	s5 =	simm.s32 $0xFFFFFFFF;
	p2 =	slt.u32 s8, $0xFFFFF086  }
0x1c: {  	p1 =	slt.u32 s9, $0xF7A;
	s5 =	simm.s32 @!p2 $0x0  }
0x1d: {  	s5 =	simm.s32 @p1 $0x1;
	p0 =	seq.s32 s7, s2  }
0x1e: {  	s7 =	smul.u32 @!p0 $0xF7A, s2;
	p2 =	seq.s32 @!p0 s5, $0x0  }
0x1f: {  	s9 =	smul.u32 $0xF7A, s1;
	s8 =	simm.s32 @!p0 $0x1BF5;
	p2 =	por !p2, p0  }
0x20: {  	[sflag:s8] =	ssyncset.s32 @!p0 $0xFFFFF086;
	s6 =	sadd.s32 @!p0 s3, s7;
	s7 =	simm.s32 @!p0 $0x108  }
0x21: {  	s3 =	sadd.s32 s3, s9;
	s6 =	sadd.s32 @!p0 $0x88, s6;
	s7 =	simm.s32 @p2 $0x1082  }
0x22: {  	[simem:s7], [sflag:s8] =	dma.local @!p0 [hbm:s6], $0xF7A  }
0x23: {  	s9 =	sor.u32 $0xD0000000, s2;
	s6 =	simm.s32 $0x108;
	_ =	swait.ge @!p0 [sflag:s8], $0x0  }
0x24: {  	s3 =	sadd.s32 $0x88, s3;
	s6 =	simm.s32 @!p1 $0x1082;
	[sflag:s4] =	ssyncset.s32 $0xFFFFF086  }
0x25: {  	[simem:s6], [sflag:s4] =	dma.local [hbm:s3], $0xF7A  }
0x26: {  	[smem:$0x3F9C] =	sst s1;
	(tag) =	ssettag s2;
	_ =	strace s9  }
0x27: {  	s1 =	sld [smem:$0x3FAC]  }
0x28: {  	s2 =	sld [smem:$0x3FAD]  }
0x29: {  	s4 =	sld [smem:$0x3FAF]  }
0x2a: {  	p0 =	seq.s32 s5, $0x0;
	s5 =	sld [smem:$0x3FB0]  }
0x2b: {  	s6 =	sld [smem:$0x3FB1]  }
0x2c: {  	s7 =	sld [smem:$0x3FB2]  }
0x2d: {  	s3 =	simm.s32 $0x108;
	s8 =	sld [smem:$0x3FB3]  }
0x2e: {  	s3 =	simm.s32 @!p0 $0x1082;
	s9 =	sld [smem:$0x3FB4]  }
0x2f: {  	lr =	sadd.s32 s0, s3;
	s0 =	sld [smem:$0x3FAB]  }
0x30: {  	s3 =	sld [smem:$0x3FAE]  }
0x31: {  	[smem:$0x3FB7] =	sst s10  }
0x32: {  	s10 =	sld [smem:$0x3FB5];
	_ =	sdelay $0x3  }
0x33: {  	p0 =	seq.s32 s10, $0x1;
	s10 =	sld [smem:$0x3FB7];
	_ =	sdelay $0x3  }
0x34: {  	[smem:$0x3FB7] =	sst s10  }
0x35: {  	s10 =	sld [smem:$0x3FB6];
	_ =	sdelay $0x3  }
0x36: {  	p1 =	seq.s32 s10, $0x1;
	s10 =	sld [smem:$0x3FB7];
	_ =	sdelay $0x3  }
0x37: {  	[smem:$0x3FB7] =	sst s10  }
0x38: {  	s10 =	sld [smem:$0x3FB8]  }
0x39: {  	_ = 	snop;
	(pc) =	sbr.ind lr, $3  }
0x3a: {  	_ = 	snop  }
0x3b: {  	_ = 	snop  }
0x3c: {  	p2 =	seq.s32 s10, $0x1;
	s10 =	sld [smem:$0x3FB7]  }
0x3d: {  	_ =	shalt  }
0x3e: {  	_ =	shalt  }
0x3f: {  	_ =	shalt  }
0x40: {  	_ =	shalt  }
0x41: {  	_ =	shalt  }
0x42: {  	_ =	shalt  }
0x43: {  	_ =	shalt  }
0x44: {  	_ =	shalt  }
0x45: {  	_ =	shalt  }
0x46: {  	_ =	shalt  }
0x47: {  	_ =	shalt  }
0x48: {  	_ =	shalt  }
0x49: {  	_ =	shalt  }
0x4a: {  	_ =	shalt  }
0x4b: {  	_ =	shalt  }
0x4c: {  	_ =	shalt  }
0x4d: {  	_ =	shalt  }
0x4e: {  	_ =	shalt  }
0x4f: {  	_ =	shalt  }
0x50: {  	_ =	shalt  }
0x51: {  	_ =	shalt  }
0x52: {  	_ =	shalt  }
0x53: {  	_ =	shalt  }
0x54: {  	_ =	shalt  }
0x55: {  	_ =	shalt  }
0x56: {  	_ =	shalt  }
0x57: {  	_ =	shalt  }
0x58: {  	_ =	shalt  }
0x59: {  	_ =	shalt  }
0x5a: {  	_ =	shalt  }
0x5b: {  	_ =	shalt  }
0x5c: {  	_ =	shalt  }
0x5d: {  	_ =	shalt  }
0x5e: {  	_ =	shalt  }
0x5f: {  	_ =	shalt  }
0x60: {  	_ =	shalt  }
0x61: {  	_ =	shalt  }
0x62: {  	_ =	shalt  }
0x63: {  	_ =	shalt  }
0x64: {  	_ =	shalt  }
0x65: {  	_ =	shalt  }
0x66: {  	_ =	shalt  }
0x67: {  	_ =	shalt  }
0x68: {  	_ =	shalt  }
0x69: {  	_ =	shalt  }
0x6a: {  	_ =	shalt  }
0x6b: {  	_ =	shalt  }
0x6c: {  	_ =	shalt  }
0x6d: {  	_ =	shalt  }
0x6e: {  	_ =	shalt  }
0x6f: {  	_ =	shalt  }
0x70: {  	_ =	shalt  }
0x71: {  	_ =	shalt  }
0x72: {  	_ =	shalt  }
0x73: {  	_ =	shalt  }
0x74: {  	_ =	shalt  }
0x75: {  	_ =	shalt  }
0x76: {  	_ =	shalt  }
0x77: {  	_ =	shalt  }
0x78: {  	_ =	shalt  }
0x79: {  	_ =	shalt  }
0x7a: {  	_ =	shalt  }
0x7b: {  	_ =	shalt  }
0x7c: {  	_ =	shalt  }
0x7d: {  	_ =	shalt  }
0x7e: {  	_ =	shalt  }
0x7f: {  	_ =	shalt  }
0x80: {  	_ =	shalt  }
0x81: {  	_ =	shalt  }
0x82: {  	_ =	shalt  }
0x83: {  	_ =	shalt  }
0x84: {  	_ =	shalt  }
0x85: {  	_ =	shalt  }
0x86: {  	_ =	shalt  }
0x87: {  	_ =	shalt  }
.Lfunc_end0:
.L_simem_size_0:
called_computation_lowered:
.L_overlay_start_0:
0x88: {  	s2 =	sld [smem:$0x3FD9]  }
0x89: {  	s3 =	sld [smem:$0x3FFE];
	_ =	sdelay $0x1  }
0x8a: {  	s1 =	srdreg.scid  }
0x8b: {  	s0 =	sand.u32 $0x1, s1  }
0x8c: {  	s16 =	sshll.u32 s0, $0xA;
	s2 =	sadd.s32 s3, s2  }
0x8d: {  	s2 =	sadd.s32 s2, s16  }
0x8e: {  	[smem:$0x3FC3] =	sst s2  }
0x8f: {  	_ = 	snop  }
0x90: {  	(tm) =	ssettm $0x1  }
0x91: {  	s17 =	sld [smem:$0x3FFB];
	_ =	sdelay $0x3  }
0x92: {  	_ =	strace s17  }
0x93: {  	s2 =	sld [smem:$0x3FFC];
	_ =	sdelay $0x3  }
0x94: {  	_ =	strace s2  }
0x95: {  	s2 =	sld [smem:$0x3FFD];
	_ =	sdelay $0x3  }
0x96: {  	_ =	strace s2  }
0x97: {  	_ =	strace $0x8FFFFFFF  }
0x98: {  	s18 =	sld [smem:$0x3FDB];
	_ =	sdelay $0x1  }
0x99: {  	s19 =	simm.s32 $_scs_section_size  }
0x9a: {  	s4 =	simm.s32 $_size__tile_overlayer_lowered;
	s5 =	simm.s32 $_tile_overlayer_lowered  }
0x9b: {  	s22 =	simm.s32 $0x1BFF;
	s21 =	sshll.u32 s5, $0x1;
	s2 =	sadd.s32 s19, s18  }
0x9c: {  	s6 =	simm.s32 $0x0;
	s20 =	sshll.u32 s4, $0x1;
	s4 =	sadd.s32 s21, s2  }
0x9d: {  	[timem:s6], [sflag:s22] =	dma.local [hbm:s4], s20  }
0x9e: {  	_ =	swait.ge [sflag:s22], s20  }
0x9f: {  	s3 =	ssub.s32 $0x0, s20;
	[sflag:s22] =	ssyncset.done $0x0  }
0xa0: {  	[sflag:s22] =	ssyncadd.s32 s3;
	_ =	sdelay $0x1  }
0xa1: {  	s23 =	simm.s32 $0x1B8B  }
0xa2: {  	_ =	swait.ge [sflag:s23], $0x1  }
0xa3: {  	[sflag:s23] =	ssyncset.done $0x0  }
0xa4: {  	s25 =	simm.s32 $0x1B8E;
	s24 =	sld [smem:$0x3FFE];
	[sflag:s23] =	ssyncadd.s32 $0xFFFFFFFF  }
0xa5: {  	s26 =	simm.s32 $execute0_lowered;
	[smem:$0x3FD2] =	sst s25  }
0xa6: {  	s4 =	sshll.u32 s26, $0x1;
	_ =	strace $0x80000046;
	[dreg:$0x1] =	wrdreg $0xFFFFFFFF  }
0xa7: {  	s28 =	simm.s32 $_size_execute0_lowered;
	s2 =	sadd.s32 s2, s4;
	[dreg:$0x0] =	wrdreg $0x0  }
0xa8: {  	s4 =	sshll.u32 s28, $0x1;
	[dreg:$0x2] =	wrdreg s2  }
0xa9: {  	[dreg:$0x3] =	wrdreg s4  }
0xaa: {  	[dreg:$0x4] =	wrdreg $0xC0  }
0xab: {  	_ =	task [dreg:s6], $0x5FFFF  }
0xac: {  	[dreg:$0x1] =	wrdreg $0xFFFFFFFF  }
0xad: {  	[dreg:$0x0] =	wrdreg $0x60  }
0xae: {  	[dreg:$0x2] =	wrdreg s24  }
0xaf: {  	[dreg:$0x3] =	wrdreg $0x1AD400  }
0xb0: {  	[dreg:$0x4] =	wrdreg $0x9  }
0xb1: {  	_ =	task.clear_ibuf [dreg:s6], $0x5FFFF;
	_ =	strace $0x90000046  }
0xb2: {  	s29 =	simm.s32 $0x9;
	_ =	strace $0x80000048  }
0xb3: {  	_ =	swait.ge [sflag:s29], $0x1  }
0xb4: {  	[sflag:s29] =	ssyncadd.s32 $0xFFFFFFFF  }
0xb5: {  	_ =	strace $0x90000048  }
0xb6: {  	_ =	sfence  }
0xb7: {  	s30 =	sld [smem:$0x0];
	_ =	sdelay $0x2  }
0xb8: {  	s31 =	sshll.u32 s1, $0xD;
	s1 =	sshrl.u32 s1, $0x2  }
0xb9: {  	s3 =	sand.u32 $0x4000, s31;
	s1 =	sadd.s32 s1, s30  }
0xba: {  	s0 =	sor.u32 s3, s0;
	s1 =	sshll.u32 s1, $0x11  }
0xbb: {  	s0 =	sor.u32 s1, s0  }
0xbc: {  	s0 =	sadd.s32 $0x8F2B, s0  }
0xbd: {  	[sflag:s0] =	ssyncadd.remote.s32 $0x1  }
0xbe: {  	_ =	sfence.sel $0xFFFF  }
0xbf: {  	[dreg:$0x0] =	wrdreg $0xFFFFFFFF;
	(pc) =	sbr.abs _section_cstart, $3  }
0xc0: {  	[dreg:$0x1] =	wrdreg $0xFFFFFFFF  }
0xc1: {  	_ =	task.clear_ibuf [dreg:s6], $0x2FFFF;
	_ =	strace $0x9FFFFFFF  }
0xc2: {  	(tm) =	ssettm $0x7FFFFFFF  }
0xc3: {  	_ =	shalt  }
tec
execute0_lowered:
.L_overlay_start_1:
0x0: {  	(tag) =	ssettag $0x1  }
0x1: {  	s12 =	rddreg [dreg:$0x0]  }
0x2: {  	s1 =	rddreg [dreg:$0x1]  }
0x3: {  	s0 =	rddreg [dreg:$0x2];
	s2 =	simm.s32 $0x0  }
0x4: {  	s5 =	srdreg.scid;
	s15 =	simm.s32 $0xFA800;
	s16 =	simm.s32 $0x18800  }
0x5: {  	s17 =	simm.s32 $0x18E40;
	s18 =	simm.s32 $0x19480;
	s19 =	simm.s32 $0x640  }
0x6: {  	s20 =	simm.s32 $0x19AC0;
	s22 =	simm.s32 $0x0;
	[smem:$0x7FF] =	sst s2  }
0x7: {  	s3 =	sadd.s32 $0xC3A00, s12;
	s4 =	sadd.s32 $0xDCA00, s12;
	s9 =	sand.u32 $0x1, s5  }
0x8: {  	s6 =	sadd.s32 $0xF7400, s12;
	s7 =	sadd.s32 $0xF5A00, s12;
	s8 =	sadd.s32 $0xFC200, s12  }
0x9: {  	s5 =	stileid.u32;
	_ =	strace $0x80000047;
	s10 =	ssub.s32 $0x2, s9  }
0xa: {  	s13 =	smul.u32 $0xC40, s5;
	s31 =	sshll.u32 s9, $0x8;
	s14 =	sshll.u32 s5, $0x4  }
0xb: {  	p0 =	seq.s32 s9, $0x1;
	s21 =	sshll.u32 s5, $0x6;
	s11 =	sshrl.u32 s10, $0x1  }
0xc: {  	s15 =	simm.s32 @!p0 $0xF8E00;
	s21 =	sor.u32 $0x1C01, s21;
	s11 =	ssub.s32 s10, s11  }
0xd: {  	s9 =	sadd.s32 s13, s1;
	s10 =	sor.u32 s14, s31;
	s13 =	sshrl.u32 s13, $0x3  }
0xe: {  	s12 =	sadd.s32 s15, s12;
	s14 =	simm.s32 $0x1;
	s15 =	simm.s32 $0xC400  }
0xf: {  	v0 =	vimm.f32 $0.0e+00;
	s11 =	smax.u32 s11, $0x1;
	s12 =	sadd.s32 s12, s13;
	s13 =	simm.s32 $0x1A100  }
.LBB2_1:
0x10: {  	s23 =	simm.s32 $0x40;
	s24 =	simm.s32 $0x0  }
.LBB2_2:
0x11: {  	p0 =	sne.s32 s23, $0x30C0;
	[tilespmem:s24+$0x1A100] =	vst v0;
	s24 =	smov.u32 s23;
	s23 =	sadd.s32 $0x40, s23  }
.Ltmp0:
0x12: {  	(pc) =	sbr.rel @p0 .LBB2_2-.Ltmp0, $2  }
0x13: {  	_ =	sdelay $0x2  }
0x14: {  	s24 =	sshra.s32 s24, $0x2  }
0x15: {  	[tilespmem:s24+$0x1A100] =	vst v0  }
0x16: {  	[spmem:s9] =	stream.linear.scatter [tilespmem:s13], [sflag:$0x1], $0xC40, $0x38;
	[tilespmem:$0x1B980] =	vst v63  }
0x17: {  	_ =	swait.ge [sflag:s14], $0xC40  }
0x18: {  	[sflag:s14] =	ssyncset.done $0x0  }
0x19: {  	s23 =	simm.s32 $0x0;
	[sflag:s14] =	ssyncadd.s32 $0xFFFFF3C0  }
0x1a: {  	[tilespmem:s23], [sflag:$0x1] =	stream.linear.gather [hbm4b:s6+s23], $0xC400, $0x38;
	[tilespmem:$0x1B980] =	vst v63  }
0x1b: {  	_ =	swait.ge [sflag:s14], $0xC400  }
0x1c: {  	[sflag:s14] =	ssyncset.done $0x0  }
0x1d: {  	[sflag:s14] =	ssyncadd.s32 $0xFFFF3C00  }
0x1e: {  	[tilespmem:s15], [sflag:$0x1] =	stream.linear.gather [hbm4b:s7+s23], $0xC400, $0x38;
	[tilespmem:$0x1B980] =	vst v63  }
0x1f: {  	_ =	swait.ge [sflag:s14], $0xC400  }
0x20: {  	[sflag:s14] =	ssyncset.done $0x0  }
0x21: {  	[sflag:s14] =	ssyncadd.s32 $0xFFFF3C00  }
0x22: {  	s24 =	simm.s32 $0x0;
	[bflag:$0x0] =	sbarrier.arrive $0xFFFF  }
.LBB2_4:
0x23: {  	s25 =	sadd.s32 s10, s24  }
0x24: {  	s25 =	smul.u32 $0xC8, s25;
	_ =	sdelay $0x1  }
0x25: {  	s26 =	sadd.s32 s3, s25  }
0x26: {  	[tilespmem:s16], [sflag:$0x1] =	stream.linear.gather [hbm4b:s26+s23], $0x640, $0x38;
	[tilespmem:$0x1B980] =	vst v63  }
0x27: {  	_ =	swait.ge [sflag:s14], $0x640  }
0x28: {  	[sflag:s14] =	ssyncset.done $0x0  }
0x29: {  	s31 =	sadd.s32 s4, s25;
	[sflag:s14] =	ssyncadd.s32 $0xFFFFF9C0  }
0x2a: {  	[tilespmem:s17], [sflag:$0x1] =	stream.linear.gather [hbm4b:s31+s23], $0x640, $0x38;
	[tilespmem:$0x1B980] =	vst v63  }
0x2b: {  	_ =	swait.ge [sflag:s14], $0x640  }
0x2c: {  	[sflag:s14] =	ssyncset.done $0x0  }
0x2d: {  	s26 =	simm.s32 $0x0;
	[sflag:s14] =	ssyncadd.s32 $0xFFFFF9C0  }
0x2e: {  	v1 =	vld [tilespmem:s26+$0x18E40]  }
0x2f: {  	v2 =	vld [tilespmem:s26+$0x18800];
	_ =	sdelay $0x6  }
0x30: {  	v1 =	vld.idx.msk [tilespmem:v1+s15+$0x0], $0xffff  }
0x31: {  	v2 =	vld.idx.msk [tilespmem:v2+s2+$0x0], $0xffff;
	_ =	sdelay $0x4  }
0x32: {  	v1 =	vadd.f32 v1, v2;
	_ =	sdelay $0x1  }
0x33: {  	v1 =	vadd.f32 v1, v1;
	_ =	sdelay $0x1  }
0x34: {  	v1 =	vmul.f32 $1.442695020e+00, v1;
	_ =	sdelay $0x1  }
0x35: {  	(erf) = vpow2.f32 v1;
	_ =	sdelay $0x8  }
0x36: {  	v1 =	vpop (erf)  }
0x37: {  	v1 =	vadd.f32 $1.000000000e+00, v1;
	_ =	sdelay $0x1  }
0x38: {  	(erf) = vrcp.f32 v1;
	_ =	sdelay $0x7  }
0x39: {  	s29 =	simm.s32 $0x10  }
0x3a: {  	s28 =	simm.s32 $0x80;
	v1 =	vld [tilespmem:s29+$0x18E40];
	v2 =	vpop (erf)  }
.LBB2_5:
0x3b: {  	p0 =	sne.s32 s28, $0x18C0;
	v3 =	vld [tilespmem:s29+$0x18800];
	v2 =	vadd.f32 v2, v2;
	_ =	sdelay $0x1  }
0x3c: {  	v2 =	vsub.f32 $1.000000000e+00, v2;
	_ =	sdelay $0x1  }
0x3d: {  	[tilespmem:s26+$0x19480] =	vst v2;
	v2 =	vmul.f32 v2, v2;
	_ =	sdelay $0x1  }
0x3e: {  	[tilespmem:s26+$0x19AC0] =	vst v2;
	s26 =	smov.u32 s29  }
0x3f: {  	v1 =	vld.idx.msk [tilespmem:v1+s15+$0x0], $0xffff  }
0x40: {  	v2 =	vld.idx.msk [tilespmem:v3+s2+$0x0], $0xffff;
	_ =	sdelay $0x5  }
0x41: {  	v1 =	vadd.f32 v1, v2;
	_ =	sdelay $0x1  }
0x42: {  	v1 =	vadd.f32 v1, v1;
	_ =	sdelay $0x1  }
0x43: {  	v1 =	vmul.f32 $1.442695020e+00, v1;
	_ =	sdelay $0x1  }
0x44: {  	(erf) = vpow2.f32 v1;
	_ =	sdelay $0x8  }
0x45: {  	v1 =	vpop (erf)  }
0x46: {  	v1 =	vadd.f32 $1.000000000e+00, v1;
	_ =	sdelay $0x1  }
0x47: {  	(erf) = vrcp.f32 v1;
	_ =	sdelay $0x4  }
.Ltmp1:
0x48: {  	(pc) =	sbr.rel @p0 .LBB2_5-.Ltmp1, $3  }
0x49: {  	_ =	sdelay $0x1  }
0x4a: {  	s29 =	sshra.s32 s28, $0x2  }
0x4b: {  	s28 =	sadd.s32 $0x40, s28;
	v1 =	vld [tilespmem:s29+$0x18E40];
	v2 =	vpop (erf)  }
0x4c: {  	_ = 	snop  }
0x4d: {  	v3 =	vld [tilespmem:s29+$0x18800];
	v2 =	vadd.f32 v2, v2;
	_ =	sdelay $0x1  }
0x4e: {  	v2 =	vsub.f32 $1.000000000e+00, v2;
	_ =	sdelay $0x1  }
0x4f: {  	v4 =	vmul.f32 v2, v2  }
0x50: {  	[tilespmem:s26+$0x19480] =	vst v2  }
0x51: {  	[tilespmem:s26+$0x19AC0] =	vst v4  }
0x52: {  	v1 =	vld.idx.msk [tilespmem:v1+s15+$0x0], $0xffff  }
0x53: {  	v2 =	vld.idx.msk [tilespmem:v3+s2+$0x0], $0xffff;
	_ =	sdelay $0x4  }
0x54: {  	v1 =	vadd.f32 v1, v2;
	_ =	sdelay $0x1  }
0x55: {  	v1 =	vadd.f32 v1, v1;
	_ =	sdelay $0x1  }
0x56: {  	v1 =	vmul.f32 $1.442695020e+00, v1;
	_ =	sdelay $0x1  }
0x57: {  	(erf) = vpow2.f32 v1;
	_ =	sdelay $0x8  }
0x58: {  	v1 =	vpop (erf)  }
0x59: {  	v1 =	vadd.f32 $1.000000000e+00, v1;
	_ =	sdelay $0x1  }
0x5a: {  	(erf) = vrcp.f32 v1;
	_ =	sdelay $0x8  }
0x5b: {  	v1 =	vpop (erf)  }
0x5c: {  	v1 =	vadd.f32 v1, v1;
	_ =	sdelay $0x1  }
0x5d: {  	v1 =	vsub.f32 $1.000000000e+00, v1;
	_ =	sdelay $0x1  }
0x5e: {  	v2 =	vmul.f32 v1, v1  }
0x5f: {  	[tilespmem:s29+$0x19480] =	vst v1  }
0x60: {  	s25 =	sadd.s32 s8, s25;
	[tilespmem:s29+$0x19AC0] =	vst v2  }
0x61: {  	[hbm4b:s25+s2] =	stream.linear.scatter [tilespmem:s18], [sflag:$0x1], $0x640, $0x38;
	[tilespmem:$0x1B980] =	vst v63  }
0x62: {  	s24 =	sadd.s32 $0x1, s24;
	_ =	swait.ge [sflag:s14], $0x640  }
0x63: {  	p0 =	sne.s32 s24, $0x10;
	[sflag:s14] =	ssyncset.done $0x0  }
.Ltmp2:
0x64: {  	[sflag:s14] =	ssyncadd.s32 $0xFFFFF9C0;
	(pc) =	sbr.rel @p0 .LBB2_4-.Ltmp2, $4  }
0x65: {  	[spmem:s1] =	stream.indirect.scatter.add.f32 [tilespmem:s20], [sflag:$0x1], $0x1, s16, s19, $0xb8;
	[tilespmem:$0x1B980] =	vst v63  }
0x66: {  	_ =	swait.ge [sflag:s14], $0x640  }
0x67: {  	[sflag:s14] =	ssyncset.done $0x0  }
0x68: {  	[sflag:s14] =	ssyncadd.s32 $0xFFFFF9C0  }
0x69: {  	s22 =	sadd.s32 $0x1, s22  }
0x6a: {  	p0 =	sne.s32 s22, s11  }
.Ltmp3:
0x6b: {  	[bflag:$0x0] =	sbarrier.arrive $0xFFFF;
	s23 =	sshrl.u32 s9, $0x3;
	(pc) =	sbr.rel @p0 .LBB2_1-.Ltmp3, $4  }
0x6c: {  	[hbm:s12], [sflag:s21] =	dma.local [spmem:s23], $0x188  }
0x6d: {  	_ =	swait.ge [sflag:s14], $0x188  }
0x6e: {  	[sflag:s14] =	ssyncset.done $0x0  }
0x6f: {  	[sflag:s14] =	ssyncadd.s32 $0xFFFFFE78  }
0x70: {  	_ =	sfence.sel $0x180000  }
0x71: {  	[bflag:$0x0] =	sbarrier.arrive $0xFFFF  }
0x72: {  	p0 =	sne.s32 s5, $0x0;
	_ =	strace $0x90000047  }
0x73: {  	s0 =	sadd.s32 @!p0 $0x100000, s0;
	[bflag:$0x2] =	sbarrier.arrive $0xFFFF  }
0x74: {  	[sflag:s0] =	ssyncadd.tile.s32 @!p0 $0x1;
	_ =	shalt  }
.Lfunc_end2:
_tile_overlayer_lowered:
.L_overlay_start_2:
0x75: {  	(tag) =	ssettag $0x2  }
0x76: {  	s0 =	rddreg [dreg:$0x0];
	s2 =	stileid.u32  }
0x77: {  	s1 =	rddreg [dreg:$0x1];
	p0 =	sne.s32 s2, $0x0  }
0x78: {  	s3 =	rddreg [dreg:$0x2];
	[bflag:$0x3] =	sbarrier.arrive $0xFFFF;
	s2 =	simm.s32 @!p0 $0x1C01  }
0x79: {  	[timem:s3], [sflag:s2] =	dma.local @!p0 [hbm:s0], s1  }
0x7a: {  	s0 =	simm.s32 @!p0 $0x1  }
0x7b: {  	_ =	swait.ge @!p0 [sflag:s0], s1  }
0x7c: {  	s1 =	ssub.s32 @!p0 $0x0, s1;
	[sflag:s0] =	ssyncset.done @!p0 $0x0  }
0x7d: {  	[sflag:s0] =	ssyncadd.s32 @!p0 s1  }
0x7e: {  	[bflag:$0x3] =	sbarrier.arrive $0xFFFF  }
0x7f: {  	_ =	shalt  }

</sc_bundles>
